<compile_context>
chip_gen: v7x
topology: tpu7x:2x2x1
jax: 0.10.2.dev20260603
libtpu: 0.0.44.dev20260713+nightly
codegen_flags: <defaults>
</compile_context>

<pallas_src>
import functools

import jax
import jax.numpy as jnp
from jax import lax
from jax.experimental import pallas as pl
from jax.experimental.pallas import tpu as pltpu
from jax.experimental.pallas import tpu_sc as plsc

_NC = 2
_NS = 16


def kernel(indices, weight, trigger_embeds):
    B, L = indices.shape
    V, D = weight.shape
    NT = trigger_embeds.shape[0]
    NW = _NC * _NS
    assert B % NW == 0, (B, NW)
    seq_per_w = B // NW
    LG = L - NT

    idx = indices[:, NT:].astype(jnp.int32)

    mesh = plsc.VectorSubcoreMesh(core_axis_name="c", subcore_axis_name="s")

    @functools.partial(
        pl.kernel,
        out_type=jax.ShapeDtypeStruct((B, L, D), jnp.float32),
        mesh=mesh,
        scratch_types=[
            pltpu.VMEM((seq_per_w, LG), jnp.int32),
            pltpu.VMEM((L, D), jnp.float32),
            pltpu.VMEM((L, D), jnp.float32),
            pltpu.VMEM((L, D), jnp.float32),
            pltpu.SemaphoreType.DMA,
            pltpu.SemaphoreType.DMA,
            pltpu.SemaphoreType.DMA,
            pltpu.SemaphoreType.DMA,
            pltpu.SemaphoreType.DMA,
            pltpu.SemaphoreType.DMA,
        ],
        compiler_params=pltpu.CompilerParams(use_tc_tiling_on_sc=False),
    )
    def emb_kernel(idx_hbm, w_hbm, trig_hbm, out_hbm,
                   idx_v, buf0, buf1, buf2, g0, g1, g2, s0, s1, s2):
        bufs, gsems, ssems = [buf0, buf1, buf2], [g0, g1, g2], [s0, s1, s2]
        wid = lax.axis_index("s") * _NC + lax.axis_index("c")
        seq0 = wid * seq_per_w
        pltpu.sync_copy(idx_hbm.at[pl.ds(seq0, seq_per_w)], idx_v)
        for b in bufs:
            pltpu.sync_copy(trig_hbm, b.at[pl.ds(0, NT)])

        def start_gather(s, b):
            pltpu.async_copy(w_hbm.at[idx_v.at[s]], bufs[b].at[pl.ds(NT, LG)],
                             gsems[b])

        def wait_gather(b):
            pltpu.make_async_copy(w_hbm.at[pl.ds(0, LG)],
                                  bufs[b].at[pl.ds(NT, LG)], gsems[b]).wait()

        def start_scatter(s, b):
            pltpu.async_copy(bufs[b], out_hbm.at[seq0 + s], ssems[b])

        def wait_scatter(b):
            pltpu.make_async_copy(bufs[b], out_hbm.at[0], ssems[b]).wait()

        start_gather(0, 0)
        start_gather(1, 1)

        n_grp = seq_per_w // 3

        @pl.loop(0, n_grp)
        def _grp(go):
            for i in range(3):
                s = go * 3 + i
                wait_gather(i)
                start_scatter(s, i)
                nb = (i + 2) % 3
                def _free(b=nb):
                    wait_scatter(b)
                if i == 0:
                    pl.when(go >= 1)(_free)
                else:
                    _free()
                start_gather(s + 2, nb)

        for s in range(3 * n_grp, seq_per_w):
            i = s % 3
            wait_gather(i)
            start_scatter(s, i)

        for s in range(seq_per_w - 3, seq_per_w):
            wait_scatter(s % 3)

    return emb_kernel(idx, weight, trigger_embeds)

# --- scband reference (transcript-rebuilt; emitter-appended) ---
"""Pipeline reference for scband-triggered-embedding-layer-48387101557328 (READ-ONLY COPY).

The authoritative reference and input builder live on the scoring server;
editing this copy changes nothing except your own understanding.
"""

import jax, jax.numpy as jnp
import numpy as np

NUM_EMB = 105879
DIM = 768
NTRIG = 3
B = 1024
L = 50


def setup_inputs(seed: int = 0) -> dict:
    key = jax.random.key(seed)
    k1, k2, k3 = jax.random.split(key, 3)
    indices = jax.random.randint(k1, (B, L), 0, NUM_EMB)
    weight = jax.random.normal(k2, (NUM_EMB, DIM), dtype=jnp.float32) * 0.02
    trigger_embeds = jax.random.normal(k3, (NTRIG, DIM), dtype=jnp.float32) * 0.02
    return {"indices": indices, "weight": weight, "trigger_embeds": trigger_embeds}


def reference(indices, weight, trigger_embeds):
    # Base embedding lookup on the (frozen) pretrained table
    emb = jnp.take(weight, indices, axis=0)  # [B, L, DIM]
    # Overwrite the first n_trigger_tokens positions of every sequence
    # with the learnable trigger embeddings (universal-trigger style).
    ntrig = trigger_embeds.shape[0]
    trig = jnp.broadcast_to(trigger_embeds[None, :, :], (emb.shape[0], ntrig, emb.shape[2]))
    emb = emb.at[:, :ntrig, :].set(trig)
    return emb

if __name__ == "__main__":
    import jax
    _d = setup_inputs()
    print(jax.jit(kernel)(*tuple(_d.values())))

</pallas_src>

<mosaic_0001>
#map = affine_map<(d0, d1) -> (0, 0)>
#map1 = affine_map<(d0, d1) -> (0, 0, 0)>
module attributes {stable_mosaic.version = 14 : i64} {
  func.func @emb_kernel(%arg0: i32, %arg1: i32, %arg2: memref<1024x47xi32, #tpu.memory_space<hbm>>, %arg3: memref<105879x768xf32, #tpu.memory_space<hbm>>, %arg4: memref<3x768xf32, #tpu.memory_space<hbm>>, %arg5: memref<1024x50x768xf32, #tpu.memory_space<hbm>>, %arg6: memref<32x47xi32, #tpu.memory_space<vmem>>, %arg7: memref<50x768xf32, #tpu.memory_space<vmem>>, %arg8: memref<50x768xf32, #tpu.memory_space<vmem>>, %arg9: memref<50x768xf32, #tpu.memory_space<vmem>>, %arg10: memref<!tpu.dma_semaphore, #tpu.memory_space<semaphore_mem>>, %arg11: memref<!tpu.dma_semaphore, #tpu.memory_space<semaphore_mem>>, %arg12: memref<!tpu.dma_semaphore, #tpu.memory_space<semaphore_mem>>, %arg13: memref<!tpu.dma_semaphore, #tpu.memory_space<semaphore_mem>>, %arg14: memref<!tpu.dma_semaphore, #tpu.memory_space<semaphore_mem>>, %arg15: memref<!tpu.dma_semaphore, #tpu.memory_space<semaphore_mem>>) attributes {dimension_semantics = [#tpu.dimension_semantics<core_parallel>, #tpu.dimension_semantics<subcore_parallel>], iteration_bounds = array<i64: 2, 16>, scalar_prefetch = 0 : i64, scratch_operands = 10 : i64, tpu.core_type = #tpu.core_type<sc_vector_subcore>, window_params = [{transform_indices = #map}, {transform_indices = #map}, {transform_indices = #map}, {transform_indices = #map1}]} {
    %mul3A = arith.constant 2 : i32
    %mul3A_0 = arith.muli %arg1, %mul3A : i32
    %add3A = arith.addi %mul3A_0, %arg0 : i32
    %mul3A_1 = arith.constant 32 : i32
    %mul3A_2 = arith.muli %add3A, %mul3A_1 : i32
    "tpu.region"() ({
      %run_scoped3A = tpu.sem_alloc : memref<!tpu.dma_semaphore, #tpu.memory_space<semaphore_mem>>
      %dma_start3A_96 = arith.constant 0 : i32
      %dma_start3A_97 = tpu.memref_slice %arg2[%mul3A_2, %dma_start3A_96] : memref<1024x47xi32, #tpu.memory_space<hbm>> -> memref<32x47xi32, #tpu.memory_space<hbm>>
      %dma_start3A_98 = arith.constant 0 : i32
      %dma_start3A_99 = tpu.memref_slice %arg2[%mul3A_2, %dma_start3A_98] : memref<1024x47xi32, #tpu.memory_space<hbm>> -> memref<32x47xi32, #tpu.memory_space<hbm>>
      tpu.enqueue_dma source(%dma_start3A_99 : memref<32x47xi32, #tpu.memory_space<hbm>>) target(%arg6 : memref<32x47xi32, #tpu.memory_space<vmem>>) target_semaphore(%run_scoped3A : memref<!tpu.dma_semaphore, #tpu.memory_space<semaphore_mem>>)
      %dma_wait3A_100 = arith.constant 0 : i32
      %dma_wait3A_101 = tpu.memref_slice %arg2[%mul3A_2, %dma_wait3A_100] : memref<1024x47xi32, #tpu.memory_space<hbm>> -> memref<32x47xi32, #tpu.memory_space<hbm>>
      %dma_wait3A_102 = arith.constant 0 : i32
      %dma_wait3A_103 = tpu.memref_slice %arg2[%mul3A_2, %dma_wait3A_102] : memref<1024x47xi32, #tpu.memory_space<hbm>> -> memref<32x47xi32, #tpu.memory_space<hbm>>
      tpu.wait_dma2 semaphore(%run_scoped3A : memref<!tpu.dma_semaphore, #tpu.memory_space<semaphore_mem>>) src(%dma_wait3A_103 : memref<32x47xi32, #tpu.memory_space<hbm>>) dst(%arg6 : memref<32x47xi32, #tpu.memory_space<vmem>>)
      tpu.yield
    }) : () -> ()
    "tpu.region"() ({
      %run_scoped3A = tpu.sem_alloc : memref<!tpu.dma_semaphore, #tpu.memory_space<semaphore_mem>>
      %dma_start3A_96 = arith.constant 0 : i32
      %dma_start3A_97 = arith.constant 0 : i32
      %dma_start3A_98 = tpu.memref_slice %arg7[%dma_start3A_96, %dma_start3A_97] : memref<50x768xf32, #tpu.memory_space<vmem>> -> memref<3x768xf32, #tpu.memory_space<vmem>>
      %dma_start3A_99 = arith.constant 0 : i32
      %dma_start3A_100 = arith.constant 0 : i32
      %dma_start3A_101 = tpu.memref_slice %arg7[%dma_start3A_99, %dma_start3A_100] : memref<50x768xf32, #tpu.memory_space<vmem>> -> memref<3x768xf32, #tpu.memory_space<vmem>>
      tpu.enqueue_dma source(%arg4 : memref<3x768xf32, #tpu.memory_space<hbm>>) target(%dma_start3A_101 : memref<3x768xf32, #tpu.memory_space<vmem>>) target_semaphore(%run_scoped3A : memref<!tpu.dma_semaphore, #tpu.memory_space<semaphore_mem>>)
      %dma_wait3A_102 = arith.constant 0 : i32
      %dma_wait3A_103 = arith.constant 0 : i32
      %dma_wait3A_104 = tpu.memref_slice %arg7[%dma_wait3A_102, %dma_wait3A_103] : memref<50x768xf32, #tpu.memory_space<vmem>> -> memref<3x768xf32, #tpu.memory_space<vmem>>
      %dma_wait3A_105 = arith.constant 0 : i32
      %dma_wait3A_106 = arith.constant 0 : i32
      %dma_wait3A_107 = tpu.memref_slice %arg7[%dma_wait3A_105, %dma_wait3A_106] : memref<50x768xf32, #tpu.memory_space<vmem>> -> memref<3x768xf32, #tpu.memory_space<vmem>>
      tpu.wait_dma2 semaphore(%run_scoped3A : memref<!tpu.dma_semaphore, #tpu.memory_space<semaphore_mem>>) src(%arg4 : memref<3x768xf32, #tpu.memory_space<hbm>>) dst(%dma_wait3A_107 : memref<3x768xf32, #tpu.memory_space<vmem>>)
      tpu.yield
    }) : () -> ()
    "tpu.region"() ({
      %run_scoped3A = tpu.sem_alloc : memref<!tpu.dma_semaphore, #tpu.memory_space<semaphore_mem>>
      %dma_start3A_96 = arith.constant 0 : i32
      %dma_start3A_97 = arith.constant 0 : i32
      %dma_start3A_98 = tpu.memref_slice %arg8[%dma_start3A_96, %dma_start3A_97] : memref<50x768xf32, #tpu.memory_space<vmem>> -> memref<3x768xf32, #tpu.memory_space<vmem>>
      %dma_start3A_99 = arith.constant 0 : i32
      %dma_start3A_100 = arith.constant 0 : i32
      %dma_start3A_101 = tpu.memref_slice %arg8[%dma_start3A_99, %dma_start3A_100] : memref<50x768xf32, #tpu.memory_space<vmem>> -> memref<3x768xf32, #tpu.memory_space<vmem>>
      tpu.enqueue_dma source(%arg4 : memref<3x768xf32, #tpu.memory_space<hbm>>) target(%dma_start3A_101 : memref<3x768xf32, #tpu.memory_space<vmem>>) target_semaphore(%run_scoped3A : memref<!tpu.dma_semaphore, #tpu.memory_space<semaphore_mem>>)
      %dma_wait3A_102 = arith.constant 0 : i32
      %dma_wait3A_103 = arith.constant 0 : i32
      %dma_wait3A_104 = tpu.memref_slice %arg8[%dma_wait3A_102, %dma_wait3A_103] : memref<50x768xf32, #tpu.memory_space<vmem>> -> memref<3x768xf32, #tpu.memory_space<vmem>>
      %dma_wait3A_105 = arith.constant 0 : i32
      %dma_wait3A_106 = arith.constant 0 : i32
      %dma_wait3A_107 = tpu.memref_slice %arg8[%dma_wait3A_105, %dma_wait3A_106] : memref<50x768xf32, #tpu.memory_space<vmem>> -> memref<3x768xf32, #tpu.memory_space<vmem>>
      tpu.wait_dma2 semaphore(%run_scoped3A : memref<!tpu.dma_semaphore, #tpu.memory_space<semaphore_mem>>) src(%arg4 : memref<3x768xf32, #tpu.memory_space<hbm>>) dst(%dma_wait3A_107 : memref<3x768xf32, #tpu.memory_space<vmem>>)
      tpu.yield
    }) : () -> ()
    "tpu.region"() ({
      %run_scoped3A = tpu.sem_alloc : memref<!tpu.dma_semaphore, #tpu.memory_space<semaphore_mem>>
      %dma_start3A_96 = arith.constant 0 : i32
      %dma_start3A_97 = arith.constant 0 : i32
      %dma_start3A_98 = tpu.memref_slice %arg9[%dma_start3A_96, %dma_start3A_97] : memref<50x768xf32, #tpu.memory_space<vmem>> -> memref<3x768xf32, #tpu.memory_space<vmem>>
      %dma_start3A_99 = arith.constant 0 : i32
      %dma_start3A_100 = arith.constant 0 : i32
      %dma_start3A_101 = tpu.memref_slice %arg9[%dma_start3A_99, %dma_start3A_100] : memref<50x768xf32, #tpu.memory_space<vmem>> -> memref<3x768xf32, #tpu.memory_space<vmem>>
      tpu.enqueue_dma source(%arg4 : memref<3x768xf32, #tpu.memory_space<hbm>>) target(%dma_start3A_101 : memref<3x768xf32, #tpu.memory_space<vmem>>) target_semaphore(%run_scoped3A : memref<!tpu.dma_semaphore, #tpu.memory_space<semaphore_mem>>)
      %dma_wait3A_102 = arith.constant 0 : i32
      %dma_wait3A_103 = arith.constant 0 : i32
      %dma_wait3A_104 = tpu.memref_slice %arg9[%dma_wait3A_102, %dma_wait3A_103] : memref<50x768xf32, #tpu.memory_space<vmem>> -> memref<3x768xf32, #tpu.memory_space<vmem>>
      %dma_wait3A_105 = arith.constant 0 : i32
      %dma_wait3A_106 = arith.constant 0 : i32
      %dma_wait3A_107 = tpu.memref_slice %arg9[%dma_wait3A_105, %dma_wait3A_106] : memref<50x768xf32, #tpu.memory_space<vmem>> -> memref<3x768xf32, #tpu.memory_space<vmem>>
      tpu.wait_dma2 semaphore(%run_scoped3A : memref<!tpu.dma_semaphore, #tpu.memory_space<semaphore_mem>>) src(%arg4 : memref<3x768xf32, #tpu.memory_space<hbm>>) dst(%dma_wait3A_107 : memref<3x768xf32, #tpu.memory_space<vmem>>)
      tpu.yield
    }) : () -> ()
    %dma_start3A = arith.constant 0 : i32
    %dma_start3A_3 = arith.constant 3 : i32
    %dma_start3A_4 = arith.constant 0 : i32
    %dma_start3A_5 = tpu.memref_slice %arg7[%dma_start3A_3, %dma_start3A_4] : memref<50x768xf32, #tpu.memory_space<vmem>> -> memref<47x768xf32, #tpu.memory_space<vmem>>
    %dma_start3A_6 = arith.constant 0 : i32
    %dma_start3A_7 = tpu.memref_slice %arg6[%dma_start3A, %dma_start3A_6] : memref<32x47xi32, #tpu.memory_space<vmem>> -> memref<1x47xi32, #tpu.memory_space<vmem>>
    %dma_start3A_8 = tpu.memref_squeeze %dma_start3A_7 : memref<1x47xi32, #tpu.memory_space<vmem>> -> memref<47xi32, #tpu.memory_space<vmem>>
    %dma_start3A_9 = arith.constant 0 : i32
    %dma_start3A_10 = arith.constant 0 : i32
    %dma_start3A_11 = tpu.memref_slice %arg3[%dma_start3A_9, %dma_start3A_10] : memref<105879x768xf32, #tpu.memory_space<hbm>> -> memref<105879x768xf32, #tpu.memory_space<hbm>>
    tpu.enqueue_indirect_dma source(%dma_start3A_11 : memref<105879x768xf32, #tpu.memory_space<hbm>>) target(%dma_start3A_5 : memref<47x768xf32, #tpu.memory_space<vmem>>) offsets(%dma_start3A_8 : memref<47xi32, #tpu.memory_space<vmem>>) semaphore(%arg10 : memref<!tpu.dma_semaphore, #tpu.memory_space<semaphore_mem>>)
    %dma_start3A_12 = arith.constant 1 : i32
    %dma_start3A_13 = arith.constant 3 : i32
    %dma_start3A_14 = arith.constant 0 : i32
    %dma_start3A_15 = tpu.memref_slice %arg8[%dma_start3A_13, %dma_start3A_14] : memref<50x768xf32, #tpu.memory_space<vmem>> -> memref<47x768xf32, #tpu.memory_space<vmem>>
    %dma_start3A_16 = arith.constant 0 : i32
    %dma_start3A_17 = tpu.memref_slice %arg6[%dma_start3A_12, %dma_start3A_16] : memref<32x47xi32, #tpu.memory_space<vmem>> -> memref<1x47xi32, #tpu.memory_space<vmem>>
    %dma_start3A_18 = tpu.memref_squeeze %dma_start3A_17 : memref<1x47xi32, #tpu.memory_space<vmem>> -> memref<47xi32, #tpu.memory_space<vmem>>
    %dma_start3A_19 = arith.constant 0 : i32
    %dma_start3A_20 = arith.constant 0 : i32
    %dma_start3A_21 = tpu.memref_slice %arg3[%dma_start3A_19, %dma_start3A_20] : memref<105879x768xf32, #tpu.memory_space<hbm>> -> memref<105879x768xf32, #tpu.memory_space<hbm>>
    tpu.enqueue_indirect_dma source(%dma_start3A_21 : memref<105879x768xf32, #tpu.memory_space<hbm>>) target(%dma_start3A_15 : memref<47x768xf32, #tpu.memory_space<vmem>>) offsets(%dma_start3A_18 : memref<47xi32, #tpu.memory_space<vmem>>) semaphore(%arg11 : memref<!tpu.dma_semaphore, #tpu.memory_space<semaphore_mem>>)
    %scan3A = arith.constant 0 : i32
    %scan3A_22 = arith.constant 10 : i32
    %scan3A_23 = arith.addi %scan3A, %scan3A_22 : i32
    %scan3A_24 = arith.constant 1 : i32
    scf.for %scan3A_96 = %scan3A to %scan3A_23 step %scan3A_24  : i32 {
      %mul3A_97 = arith.constant 1 : i32
      %mul3A_98 = arith.muli %scan3A_96, %mul3A_97 : i32
      %add3A_99 = arith.constant 0 : i32
      %add3A_100 = arith.addi %add3A_99, %mul3A_98 : i32
      %mul3A_101 = arith.constant 3 : i32
      %mul3A_102 = arith.muli %add3A_100, %mul3A_101 : i32
      %add3A_103 = arith.constant 0 : i32
      %add3A_104 = arith.addi %mul3A_102, %add3A_103 : i32
      %dma_wait3A_105 = arith.constant 3 : i32
      %dma_wait3A_106 = arith.constant 0 : i32
      %dma_wait3A_107 = tpu.memref_slice %arg7[%dma_wait3A_105, %dma_wait3A_106] : memref<50x768xf32, #tpu.memory_space<vmem>> -> memref<47x768xf32, #tpu.memory_space<vmem>>
      %dma_wait3A_108 = arith.constant 0 : i32
      %dma_wait3A_109 = arith.constant 0 : i32
      %dma_wait3A_110 = tpu.memref_slice %arg3[%dma_wait3A_108, %dma_wait3A_109] : memref<105879x768xf32, #tpu.memory_space<hbm>> -> memref<47x768xf32, #tpu.memory_space<hbm>>
      %dma_wait3A_111 = arith.constant 3 : i32
      %dma_wait3A_112 = arith.constant 0 : i32
      %dma_wait3A_113 = tpu.memref_slice %arg7[%dma_wait3A_111, %dma_wait3A_112] : memref<50x768xf32, #tpu.memory_space<vmem>> -> memref<47x768xf32, #tpu.memory_space<vmem>>
      %dma_wait3A_114 = arith.constant 0 : i32
      %dma_wait3A_115 = arith.constant 0 : i32
      %dma_wait3A_116 = tpu.memref_slice %arg3[%dma_wait3A_114, %dma_wait3A_115] : memref<105879x768xf32, #tpu.memory_space<hbm>> -> memref<47x768xf32, #tpu.memory_space<hbm>>
      tpu.wait_dma2 semaphore(%arg10 : memref<!tpu.dma_semaphore, #tpu.memory_space<semaphore_mem>>) src(%dma_wait3A_116 : memref<47x768xf32, #tpu.memory_space<hbm>>) dst(%dma_wait3A_113 : memref<47x768xf32, #tpu.memory_space<vmem>>)
      %add3A_117 = arith.addi %mul3A_2, %add3A_104 : i32
      %dma_start3A_118 = arith.constant 0 : i32
      %dma_start3A_119 = arith.constant 0 : i32
      %dma_start3A_120 = tpu.memref_slice %arg5[%add3A_117, %dma_start3A_118, %dma_start3A_119] : memref<1024x50x768xf32, #tpu.memory_space<hbm>> -> memref<1x50x768xf32, #tpu.memory_space<hbm>>
      %dma_start3A_121 = tpu.memref_squeeze %dma_start3A_120 : memref<1x50x768xf32, #tpu.memory_space<hbm>> -> memref<50x768xf32, #tpu.memory_space<hbm>>
      %dma_start3A_122 = arith.constant 0 : i32
      %dma_start3A_123 = arith.constant 0 : i32
      %dma_start3A_124 = tpu.memref_slice %arg5[%add3A_117, %dma_start3A_122, %dma_start3A_123] : memref<1024x50x768xf32, #tpu.memory_space<hbm>> -> memref<1x50x768xf32, #tpu.memory_space<hbm>>
      %dma_start3A_125 = tpu.memref_squeeze %dma_start3A_124 : memref<1x50x768xf32, #tpu.memory_space<hbm>> -> memref<50x768xf32, #tpu.memory_space<hbm>>
      tpu.enqueue_dma source(%arg7 : memref<50x768xf32, #tpu.memory_space<vmem>>) target(%dma_start3A_125 : memref<50x768xf32, #tpu.memory_space<hbm>>) target_semaphore(%arg13 : memref<!tpu.dma_semaphore, #tpu.memory_space<semaphore_mem>>)
      %ge3A = arith.constant 1 : i32
      %ge3A_126 = arith.cmpi sge, %add3A_100, %ge3A : i32
      %convert_element_type3A = arith.extui %ge3A_126 : i1 to i32
      %cond3A = arith.constant 0 : i32
      %cond3A_127 = arith.cmpi ne, %convert_element_type3A, %cond3A : i32
      scf.if %cond3A_127 {
        %dma_wait3A_229 = arith.constant 0 : i32
        %dma_wait3A_230 = arith.constant 0 : i32
        %dma_wait3A_231 = arith.constant 0 : i32
        %dma_wait3A_232 = tpu.memref_slice %arg5[%dma_wait3A_229, %dma_wait3A_230, %dma_wait3A_231] : memref<1024x50x768xf32, #tpu.memory_space<hbm>> -> memref<1x50x768xf32, #tpu.memory_space<hbm>>
        %dma_wait3A_233 = tpu.memref_squeeze %dma_wait3A_232 : memref<1x50x768xf32, #tpu.memory_space<hbm>> -> memref<50x768xf32, #tpu.memory_space<hbm>>
        %dma_wait3A_234 = arith.constant 0 : i32
        %dma_wait3A_235 = arith.constant 0 : i32
        %dma_wait3A_236 = tpu.memref_slice %arg5[%dma_wait3A_229, %dma_wait3A_234, %dma_wait3A_235] : memref<1024x50x768xf32, #tpu.memory_space<hbm>> -> memref<1x50x768xf32, #tpu.memory_space<hbm>>
        %dma_wait3A_237 = tpu.memref_squeeze %dma_wait3A_236 : memref<1x50x768xf32, #tpu.memory_space<hbm>> -> memref<50x768xf32, #tpu.memory_space<hbm>>
        tpu.wait_dma2 semaphore(%arg15 : memref<!tpu.dma_semaphore, #tpu.memory_space<semaphore_mem>>) src(%arg9 : memref<50x768xf32, #tpu.memory_space<vmem>>) dst(%dma_wait3A_237 : memref<50x768xf32, #tpu.memory_space<hbm>>)
      } else {
      }
      %add3A_128 = arith.constant 2 : i32
      %add3A_129 = arith.addi %add3A_104, %add3A_128 : i32
      %dma_start3A_130 = arith.constant 3 : i32
      %dma_start3A_131 = arith.constant 0 : i32
      %dma_start3A_132 = tpu.memref_slice %arg9[%dma_start3A_130, %dma_start3A_131] : memref<50x768xf32, #tpu.memory_space<vmem>> -> memref<47x768xf32, #tpu.memory_space<vmem>>
      %dma_start3A_133 = arith.constant 0 : i32
      %dma_start3A_134 = tpu.memref_slice %arg6[%add3A_129, %dma_start3A_133] : memref<32x47xi32, #tpu.memory_space<vmem>> -> memref<1x47xi32, #tpu.memory_space<vmem>>
      %dma_start3A_135 = tpu.memref_squeeze %dma_start3A_134 : memref<1x47xi32, #tpu.memory_space<vmem>> -> memref<47xi32, #tpu.memory_space<vmem>>
      %dma_start3A_136 = arith.constant 0 : i32
      %dma_start3A_137 = arith.constant 0 : i32
      %dma_start3A_138 = tpu.memref_slice %arg3[%dma_start3A_136, %dma_start3A_137] : memref<105879x768xf32, #tpu.memory_space<hbm>> -> memref<105879x768xf32, #tpu.memory_space<hbm>>
      tpu.enqueue_indirect_dma source(%dma_start3A_138 : memref<105879x768xf32, #tpu.memory_space<hbm>>) target(%dma_start3A_132 : memref<47x768xf32, #tpu.memory_space<vmem>>) offsets(%dma_start3A_135 : memref<47xi32, #tpu.memory_space<vmem>>) semaphore(%arg12 : memref<!tpu.dma_semaphore, #tpu.memory_space<semaphore_mem>>)
      %mul3A_139 = arith.constant 3 : i32
      %mul3A_140 = arith.muli %add3A_100, %mul3A_139 : i32
      %add3A_141 = arith.constant 1 : i32
      %add3A_142 = arith.addi %mul3A_140, %add3A_141 : i32
      %dma_wait3A_143 = arith.constant 3 : i32
      %dma_wait3A_144 = arith.constant 0 : i32
      %dma_wait3A_145 = tpu.memref_slice %arg8[%dma_wait3A_143, %dma_wait3A_144] : memref<50x768xf32, #tpu.memory_space<vmem>> -> memref<47x768xf32, #tpu.memory_space<vmem>>
      %dma_wait3A_146 = arith.constant 0 : i32
      %dma_wait3A_147 = arith.constant 0 : i32
      %dma_wait3A_148 = tpu.memref_slice %arg3[%dma_wait3A_146, %dma_wait3A_147] : memref<105879x768xf32, #tpu.memory_space<hbm>> -> memref<47x768xf32, #tpu.memory_space<hbm>>
      %dma_wait3A_149 = arith.constant 3 : i32
      %dma_wait3A_150 = arith.constant 0 : i32
      %dma_wait3A_151 = tpu.memref_slice %arg8[%dma_wait3A_149, %dma_wait3A_150] : memref<50x768xf32, #tpu.memory_space<vmem>> -> memref<47x768xf32, #tpu.memory_space<vmem>>
      %dma_wait3A_152 = arith.constant 0 : i32
      %dma_wait3A_153 = arith.constant 0 : i32
      %dma_wait3A_154 = tpu.memref_slice %arg3[%dma_wait3A_152, %dma_wait3A_153] : memref<105879x768xf32, #tpu.memory_space<hbm>> -> memref<47x768xf32, #tpu.memory_space<hbm>>
      tpu.wait_dma2 semaphore(%arg11 : memref<!tpu.dma_semaphore, #tpu.memory_space<semaphore_mem>>) src(%dma_wait3A_154 : memref<47x768xf32, #tpu.memory_space<hbm>>) dst(%dma_wait3A_151 : memref<47x768xf32, #tpu.memory_space<vmem>>)
      %add3A_155 = arith.addi %mul3A_2, %add3A_142 : i32
      %dma_start3A_156 = arith.constant 0 : i32
      %dma_start3A_157 = arith.constant 0 : i32
      %dma_start3A_158 = tpu.memref_slice %arg5[%add3A_155, %dma_start3A_156, %dma_start3A_157] : memref<1024x50x768xf32, #tpu.memory_space<hbm>> -> memref<1x50x768xf32, #tpu.memory_space<hbm>>
      %dma_start3A_159 = tpu.memref_squeeze %dma_start3A_158 : memref<1x50x768xf32, #tpu.memory_space<hbm>> -> memref<50x768xf32, #tpu.memory_space<hbm>>
      %dma_start3A_160 = arith.constant 0 : i32
      %dma_start3A_161 = arith.constant 0 : i32
      %dma_start3A_162 = tpu.memref_slice %arg5[%add3A_155, %dma_start3A_160, %dma_start3A_161] : memref<1024x50x768xf32, #tpu.memory_space<hbm>> -> memref<1x50x768xf32, #tpu.memory_space<hbm>>
      %dma_start3A_163 = tpu.memref_squeeze %dma_start3A_162 : memref<1x50x768xf32, #tpu.memory_space<hbm>> -> memref<50x768xf32, #tpu.memory_space<hbm>>
      tpu.enqueue_dma source(%arg8 : memref<50x768xf32, #tpu.memory_space<vmem>>) target(%dma_start3A_163 : memref<50x768xf32, #tpu.memory_space<hbm>>) target_semaphore(%arg14 : memref<!tpu.dma_semaphore, #tpu.memory_space<semaphore_mem>>)
      %dma_wait3A_164 = arith.constant 0 : i32
      %dma_wait3A_165 = arith.constant 0 : i32
      %dma_wait3A_166 = arith.constant 0 : i32
      %dma_wait3A_167 = tpu.memref_slice %arg5[%dma_wait3A_164, %dma_wait3A_165, %dma_wait3A_166] : memref<1024x50x768xf32, #tpu.memory_space<hbm>> -> memref<1x50x768xf32, #tpu.memory_space<hbm>>
      %dma_wait3A_168 = tpu.memref_squeeze %dma_wait3A_167 : memref<1x50x768xf32, #tpu.memory_space<hbm>> -> memref<50x768xf32, #tpu.memory_space<hbm>>
      %dma_wait3A_169 = arith.constant 0 : i32
      %dma_wait3A_170 = arith.constant 0 : i32
      %dma_wait3A_171 = tpu.memref_slice %arg5[%dma_wait3A_164, %dma_wait3A_169, %dma_wait3A_170] : memref<1024x50x768xf32, #tpu.memory_space<hbm>> -> memref<1x50x768xf32, #tpu.memory_space<hbm>>
      %dma_wait3A_172 = tpu.memref_squeeze %dma_wait3A_171 : memref<1x50x768xf32, #tpu.memory_space<hbm>> -> memref<50x768xf32, #tpu.memory_space<hbm>>
      tpu.wait_dma2 semaphore(%arg13 : memref<!tpu.dma_semaphore, #tpu.memory_space<semaphore_mem>>) src(%arg7 : memref<50x768xf32, #tpu.memory_space<vmem>>) dst(%dma_wait3A_172 : memref<50x768xf32, #tpu.memory_space<hbm>>)
      %add3A_173 = arith.constant 2 : i32
      %add3A_174 = arith.addi %add3A_142, %add3A_173 : i32
      %dma_start3A_175 = arith.constant 3 : i32
      %dma_start3A_176 = arith.constant 0 : i32
      %dma_start3A_177 = tpu.memref_slice %arg7[%dma_start3A_175, %dma_start3A_176] : memref<50x768xf32, #tpu.memory_space<vmem>> -> memref<47x768xf32, #tpu.memory_space<vmem>>
      %dma_start3A_178 = arith.constant 0 : i32
      %dma_start3A_179 = tpu.memref_slice %arg6[%add3A_174, %dma_start3A_178] : memref<32x47xi32, #tpu.memory_space<vmem>> -> memref<1x47xi32, #tpu.memory_space<vmem>>
      %dma_start3A_180 = tpu.memref_squeeze %dma_start3A_179 : memref<1x47xi32, #tpu.memory_space<vmem>> -> memref<47xi32, #tpu.memory_space<vmem>>
      %dma_start3A_181 = arith.constant 0 : i32
      %dma_start3A_182 = arith.constant 0 : i32
      %dma_start3A_183 = tpu.memref_slice %arg3[%dma_start3A_181, %dma_start3A_182] : memref<105879x768xf32, #tpu.memory_space<hbm>> -> memref<105879x768xf32, #tpu.memory_space<hbm>>
      tpu.enqueue_indirect_dma source(%dma_start3A_183 : memref<105879x768xf32, #tpu.memory_space<hbm>>) target(%dma_start3A_177 : memref<47x768xf32, #tpu.memory_space<vmem>>) offsets(%dma_start3A_180 : memref<47xi32, #tpu.memory_space<vmem>>) semaphore(%arg10 : memref<!tpu.dma_semaphore, #tpu.memory_space<semaphore_mem>>)
      %mul3A_184 = arith.constant 3 : i32
      %mul3A_185 = arith.muli %add3A_100, %mul3A_184 : i32
      %add3A_186 = arith.constant 2 : i32
      %add3A_187 = arith.addi %mul3A_185, %add3A_186 : i32
      %dma_wait3A_188 = arith.constant 3 : i32
      %dma_wait3A_189 = arith.constant 0 : i32
      %dma_wait3A_190 = tpu.memref_slice %arg9[%dma_wait3A_188, %dma_wait3A_189] : memref<50x768xf32, #tpu.memory_space<vmem>> -> memref<47x768xf32, #tpu.memory_space<vmem>>
      %dma_wait3A_191 = arith.constant 0 : i32
      %dma_wait3A_192 = arith.constant 0 : i32
      %dma_wait3A_193 = tpu.memref_slice %arg3[%dma_wait3A_191, %dma_wait3A_192] : memref<105879x768xf32, #tpu.memory_space<hbm>> -> memref<47x768xf32, #tpu.memory_space<hbm>>
      %dma_wait3A_194 = arith.constant 3 : i32
      %dma_wait3A_195 = arith.constant 0 : i32
      %dma_wait3A_196 = tpu.memref_slice %arg9[%dma_wait3A_194, %dma_wait3A_195] : memref<50x768xf32, #tpu.memory_space<vmem>> -> memref<47x768xf32, #tpu.memory_space<vmem>>
      %dma_wait3A_197 = arith.constant 0 : i32
      %dma_wait3A_198 = arith.constant 0 : i32
      %dma_wait3A_199 = tpu.memref_slice %arg3[%dma_wait3A_197, %dma_wait3A_198] : memref<105879x768xf32, #tpu.memory_space<hbm>> -> memref<47x768xf32, #tpu.memory_space<hbm>>
      tpu.wait_dma2 semaphore(%arg12 : memref<!tpu.dma_semaphore, #tpu.memory_space<semaphore_mem>>) src(%dma_wait3A_199 : memref<47x768xf32, #tpu.memory_space<hbm>>) dst(%dma_wait3A_196 : memref<47x768xf32, #tpu.memory_space<vmem>>)
      %add3A_200 = arith.addi %mul3A_2, %add3A_187 : i32
      %dma_start3A_201 = arith.constant 0 : i32
      %dma_start3A_202 = arith.constant 0 : i32
      %dma_start3A_203 = tpu.memref_slice %arg5[%add3A_200, %dma_start3A_201, %dma_start3A_202] : memref<1024x50x768xf32, #tpu.memory_space<hbm>> -> memref<1x50x768xf32, #tpu.memory_space<hbm>>
      %dma_start3A_204 = tpu.memref_squeeze %dma_start3A_203 : memref<1x50x768xf32, #tpu.memory_space<hbm>> -> memref<50x768xf32, #tpu.memory_space<hbm>>
      %dma_start3A_205 = arith.constant 0 : i32
      %dma_start3A_206 = arith.constant 0 : i32
      %dma_start3A_207 = tpu.memref_slice %arg5[%add3A_200, %dma_start3A_205, %dma_start3A_206] : memref<1024x50x768xf32, #tpu.memory_space<hbm>> -> memref<1x50x768xf32, #tpu.memory_space<hbm>>
      %dma_start3A_208 = tpu.memref_squeeze %dma_start3A_207 : memref<1x50x768xf32, #tpu.memory_space<hbm>> -> memref<50x768xf32, #tpu.memory_space<hbm>>
      tpu.enqueue_dma source(%arg9 : memref<50x768xf32, #tpu.memory_space<vmem>>) target(%dma_start3A_208 : memref<50x768xf32, #tpu.memory_space<hbm>>) target_semaphore(%arg15 : memref<!tpu.dma_semaphore, #tpu.memory_space<semaphore_mem>>)
      %dma_wait3A_209 = arith.constant 0 : i32
      %dma_wait3A_210 = arith.constant 0 : i32
      %dma_wait3A_211 = arith.constant 0 : i32
      %dma_wait3A_212 = tpu.memref_slice %arg5[%dma_wait3A_209, %dma_wait3A_210, %dma_wait3A_211] : memref<1024x50x768xf32, #tpu.memory_space<hbm>> -> memref<1x50x768xf32, #tpu.memory_space<hbm>>
      %dma_wait3A_213 = tpu.memref_squeeze %dma_wait3A_212 : memref<1x50x768xf32, #tpu.memory_space<hbm>> -> memref<50x768xf32, #tpu.memory_space<hbm>>
      %dma_wait3A_214 = arith.constant 0 : i32
      %dma_wait3A_215 = arith.constant 0 : i32
      %dma_wait3A_216 = tpu.memref_slice %arg5[%dma_wait3A_209, %dma_wait3A_214, %dma_wait3A_215] : memref<1024x50x768xf32, #tpu.memory_space<hbm>> -> memref<1x50x768xf32, #tpu.memory_space<hbm>>
      %dma_wait3A_217 = tpu.memref_squeeze %dma_wait3A_216 : memref<1x50x768xf32, #tpu.memory_space<hbm>> -> memref<50x768xf32, #tpu.memory_space<hbm>>
      tpu.wait_dma2 semaphore(%arg14 : memref<!tpu.dma_semaphore, #tpu.memory_space<semaphore_mem>>) src(%arg8 : memref<50x768xf32, #tpu.memory_space<vmem>>) dst(%dma_wait3A_217 : memref<50x768xf32, #tpu.memory_space<hbm>>)
      %add3A_218 = arith.constant 2 : i32
      %add3A_219 = arith.addi %add3A_187, %add3A_218 : i32
      %dma_start3A_220 = arith.constant 3 : i32
      %dma_start3A_221 = arith.constant 0 : i32
      %dma_start3A_222 = tpu.memref_slice %arg8[%dma_start3A_220, %dma_start3A_221] : memref<50x768xf32, #tpu.memory_space<vmem>> -> memref<47x768xf32, #tpu.memory_space<vmem>>
      %dma_start3A_223 = arith.constant 0 : i32
      %dma_start3A_224 = tpu.memref_slice %arg6[%add3A_219, %dma_start3A_223] : memref<32x47xi32, #tpu.memory_space<vmem>> -> memref<1x47xi32, #tpu.memory_space<vmem>>
      %dma_start3A_225 = tpu.memref_squeeze %dma_start3A_224 : memref<1x47xi32, #tpu.memory_space<vmem>> -> memref<47xi32, #tpu.memory_space<vmem>>
      %dma_start3A_226 = arith.constant 0 : i32
      %dma_start3A_227 = arith.constant 0 : i32
      %dma_start3A_228 = tpu.memref_slice %arg3[%dma_start3A_226, %dma_start3A_227] : memref<105879x768xf32, #tpu.memory_space<hbm>> -> memref<105879x768xf32, #tpu.memory_space<hbm>>
      tpu.enqueue_indirect_dma source(%dma_start3A_228 : memref<105879x768xf32, #tpu.memory_space<hbm>>) target(%dma_start3A_222 : memref<47x768xf32, #tpu.memory_space<vmem>>) offsets(%dma_start3A_225 : memref<47xi32, #tpu.memory_space<vmem>>) semaphore(%arg11 : memref<!tpu.dma_semaphore, #tpu.memory_space<semaphore_mem>>)
    }
    %scan3A_25 = arith.constant 10 : i32
    %dma_wait3A = arith.constant 3 : i32
    %dma_wait3A_26 = arith.constant 0 : i32
    %dma_wait3A_27 = tpu.memref_slice %arg7[%dma_wait3A, %dma_wait3A_26] : memref<50x768xf32, #tpu.memory_space<vmem>> -> memref<47x768xf32, #tpu.memory_space<vmem>>
    %dma_wait3A_28 = arith.constant 0 : i32
    %dma_wait3A_29 = arith.constant 0 : i32
    %dma_wait3A_30 = tpu.memref_slice %arg3[%dma_wait3A_28, %dma_wait3A_29] : memref<105879x768xf32, #tpu.memory_space<hbm>> -> memref<47x768xf32, #tpu.memory_space<hbm>>
    %dma_wait3A_31 = arith.constant 3 : i32
    %dma_wait3A_32 = arith.constant 0 : i32
    %dma_wait3A_33 = tpu.memref_slice %arg7[%dma_wait3A_31, %dma_wait3A_32] : memref<50x768xf32, #tpu.memory_space<vmem>> -> memref<47x768xf32, #tpu.memory_space<vmem>>
    %dma_wait3A_34 = arith.constant 0 : i32
    %dma_wait3A_35 = arith.constant 0 : i32
    %dma_wait3A_36 = tpu.memref_slice %arg3[%dma_wait3A_34, %dma_wait3A_35] : memref<105879x768xf32, #tpu.memory_space<hbm>> -> memref<47x768xf32, #tpu.memory_space<hbm>>
    tpu.wait_dma2 semaphore(%arg10 : memref<!tpu.dma_semaphore, #tpu.memory_space<semaphore_mem>>) src(%dma_wait3A_36 : memref<47x768xf32, #tpu.memory_space<hbm>>) dst(%dma_wait3A_33 : memref<47x768xf32, #tpu.memory_space<vmem>>)
    %add3A_37 = arith.constant 30 : i32
    %add3A_38 = arith.addi %mul3A_2, %add3A_37 : i32
    %dma_start3A_39 = arith.constant 0 : i32
    %dma_start3A_40 = arith.constant 0 : i32
    %dma_start3A_41 = tpu.memref_slice %arg5[%add3A_38, %dma_start3A_39, %dma_start3A_40] : memref<1024x50x768xf32, #tpu.memory_space<hbm>> -> memref<1x50x768xf32, #tpu.memory_space<hbm>>
    %dma_start3A_42 = tpu.memref_squeeze %dma_start3A_41 : memref<1x50x768xf32, #tpu.memory_space<hbm>> -> memref<50x768xf32, #tpu.memory_space<hbm>>
    %dma_start3A_43 = arith.constant 0 : i32
    %dma_start3A_44 = arith.constant 0 : i32
    %dma_start3A_45 = tpu.memref_slice %arg5[%add3A_38, %dma_start3A_43, %dma_start3A_44] : memref<1024x50x768xf32, #tpu.memory_space<hbm>> -> memref<1x50x768xf32, #tpu.memory_space<hbm>>
    %dma_start3A_46 = tpu.memref_squeeze %dma_start3A_45 : memref<1x50x768xf32, #tpu.memory_space<hbm>> -> memref<50x768xf32, #tpu.memory_space<hbm>>
    tpu.enqueue_dma source(%arg7 : memref<50x768xf32, #tpu.memory_space<vmem>>) target(%dma_start3A_46 : memref<50x768xf32, #tpu.memory_space<hbm>>) target_semaphore(%arg13 : memref<!tpu.dma_semaphore, #tpu.memory_space<semaphore_mem>>)
    %dma_wait3A_47 = arith.constant 3 : i32
    %dma_wait3A_48 = arith.constant 0 : i32
    %dma_wait3A_49 = tpu.memref_slice %arg8[%dma_wait3A_47, %dma_wait3A_48] : memref<50x768xf32, #tpu.memory_space<vmem>> -> memref<47x768xf32, #tpu.memory_space<vmem>>
    %dma_wait3A_50 = arith.constant 0 : i32
    %dma_wait3A_51 = arith.constant 0 : i32
    %dma_wait3A_52 = tpu.memref_slice %arg3[%dma_wait3A_50, %dma_wait3A_51] : memref<105879x768xf32, #tpu.memory_space<hbm>> -> memref<47x768xf32, #tpu.memory_space<hbm>>
    %dma_wait3A_53 = arith.constant 3 : i32
    %dma_wait3A_54 = arith.constant 0 : i32
    %dma_wait3A_55 = tpu.memref_slice %arg8[%dma_wait3A_53, %dma_wait3A_54] : memref<50x768xf32, #tpu.memory_space<vmem>> -> memref<47x768xf32, #tpu.memory_space<vmem>>
    %dma_wait3A_56 = arith.constant 0 : i32
    %dma_wait3A_57 = arith.constant 0 : i32
    %dma_wait3A_58 = tpu.memref_slice %arg3[%dma_wait3A_56, %dma_wait3A_57] : memref<105879x768xf32, #tpu.memory_space<hbm>> -> memref<47x768xf32, #tpu.memory_space<hbm>>
    tpu.wait_dma2 semaphore(%arg11 : memref<!tpu.dma_semaphore, #tpu.memory_space<semaphore_mem>>) src(%dma_wait3A_58 : memref<47x768xf32, #tpu.memory_space<hbm>>) dst(%dma_wait3A_55 : memref<47x768xf32, #tpu.memory_space<vmem>>)
    %add3A_59 = arith.constant 31 : i32
    %add3A_60 = arith.addi %mul3A_2, %add3A_59 : i32
    %dma_start3A_61 = arith.constant 0 : i32
    %dma_start3A_62 = arith.constant 0 : i32
    %dma_start3A_63 = tpu.memref_slice %arg5[%add3A_60, %dma_start3A_61, %dma_start3A_62] : memref<1024x50x768xf32, #tpu.memory_space<hbm>> -> memref<1x50x768xf32, #tpu.memory_space<hbm>>
    %dma_start3A_64 = tpu.memref_squeeze %dma_start3A_63 : memref<1x50x768xf32, #tpu.memory_space<hbm>> -> memref<50x768xf32, #tpu.memory_space<hbm>>
    %dma_start3A_65 = arith.constant 0 : i32
    %dma_start3A_66 = arith.constant 0 : i32
    %dma_start3A_67 = tpu.memref_slice %arg5[%add3A_60, %dma_start3A_65, %dma_start3A_66] : memref<1024x50x768xf32, #tpu.memory_space<hbm>> -> memref<1x50x768xf32, #tpu.memory_space<hbm>>
    %dma_start3A_68 = tpu.memref_squeeze %dma_start3A_67 : memref<1x50x768xf32, #tpu.memory_space<hbm>> -> memref<50x768xf32, #tpu.memory_space<hbm>>
    tpu.enqueue_dma source(%arg8 : memref<50x768xf32, #tpu.memory_space<vmem>>) target(%dma_start3A_68 : memref<50x768xf32, #tpu.memory_space<hbm>>) target_semaphore(%arg14 : memref<!tpu.dma_semaphore, #tpu.memory_space<semaphore_mem>>)
    %dma_wait3A_69 = arith.constant 0 : i32
    %dma_wait3A_70 = arith.constant 0 : i32
    %dma_wait3A_71 = arith.constant 0 : i32
    %dma_wait3A_72 = tpu.memref_slice %arg5[%dma_wait3A_69, %dma_wait3A_70, %dma_wait3A_71] : memref<1024x50x768xf32, #tpu.memory_space<hbm>> -> memref<1x50x768xf32, #tpu.memory_space<hbm>>
    %dma_wait3A_73 = tpu.memref_squeeze %dma_wait3A_72 : memref<1x50x768xf32, #tpu.memory_space<hbm>> -> memref<50x768xf32, #tpu.memory_space<hbm>>
    %dma_wait3A_74 = arith.constant 0 : i32
    %dma_wait3A_75 = arith.constant 0 : i32
    %dma_wait3A_76 = tpu.memref_slice %arg5[%dma_wait3A_69, %dma_wait3A_74, %dma_wait3A_75] : memref<1024x50x768xf32, #tpu.memory_space<hbm>> -> memref<1x50x768xf32, #tpu.memory_space<hbm>>
    %dma_wait3A_77 = tpu.memref_squeeze %dma_wait3A_76 : memref<1x50x768xf32, #tpu.memory_space<hbm>> -> memref<50x768xf32, #tpu.memory_space<hbm>>
    tpu.wait_dma2 semaphore(%arg15 : memref<!tpu.dma_semaphore, #tpu.memory_space<semaphore_mem>>) src(%arg9 : memref<50x768xf32, #tpu.memory_space<vmem>>) dst(%dma_wait3A_77 : memref<50x768xf32, #tpu.memory_space<hbm>>)
    %dma_wait3A_78 = arith.constant 0 : i32
    %dma_wait3A_79 = arith.constant 0 : i32
    %dma_wait3A_80 = arith.constant 0 : i32
    %dma_wait3A_81 = tpu.memref_slice %arg5[%dma_wait3A_78, %dma_wait3A_79, %dma_wait3A_80] : memref<1024x50x768xf32, #tpu.memory_space<hbm>> -> memref<1x50x768xf32, #tpu.memory_space<hbm>>
    %dma_wait3A_82 = tpu.memref_squeeze %dma_wait3A_81 : memref<1x50x768xf32, #tpu.memory_space<hbm>> -> memref<50x768xf32, #tpu.memory_space<hbm>>
    %dma_wait3A_83 = arith.constant 0 : i32
    %dma_wait3A_84 = arith.constant 0 : i32
    %dma_wait3A_85 = tpu.memref_slice %arg5[%dma_wait3A_78, %dma_wait3A_83, %dma_wait3A_84] : memref<1024x50x768xf32, #tpu.memory_space<hbm>> -> memref<1x50x768xf32, #tpu.memory_space<hbm>>
    %dma_wait3A_86 = tpu.memref_squeeze %dma_wait3A_85 : memref<1x50x768xf32, #tpu.memory_space<hbm>> -> memref<50x768xf32, #tpu.memory_space<hbm>>
    tpu.wait_dma2 semaphore(%arg13 : memref<!tpu.dma_semaphore, #tpu.memory_space<semaphore_mem>>) src(%arg7 : memref<50x768xf32, #tpu.memory_space<vmem>>) dst(%dma_wait3A_86 : memref<50x768xf32, #tpu.memory_space<hbm>>)
    %dma_wait3A_87 = arith.constant 0 : i32
    %dma_wait3A_88 = arith.constant 0 : i32
    %dma_wait3A_89 = arith.constant 0 : i32
    %dma_wait3A_90 = tpu.memref_slice %arg5[%dma_wait3A_87, %dma_wait3A_88, %dma_wait3A_89] : memref<1024x50x768xf32, #tpu.memory_space<hbm>> -> memref<1x50x768xf32, #tpu.memory_space<hbm>>
    %dma_wait3A_91 = tpu.memref_squeeze %dma_wait3A_90 : memref<1x50x768xf32, #tpu.memory_space<hbm>> -> memref<50x768xf32, #tpu.memory_space<hbm>>
    %dma_wait3A_92 = arith.constant 0 : i32
    %dma_wait3A_93 = arith.constant 0 : i32
    %dma_wait3A_94 = tpu.memref_slice %arg5[%dma_wait3A_87, %dma_wait3A_92, %dma_wait3A_93] : memref<1024x50x768xf32, #tpu.memory_space<hbm>> -> memref<1x50x768xf32, #tpu.memory_space<hbm>>
    %dma_wait3A_95 = tpu.memref_squeeze %dma_wait3A_94 : memref<1x50x768xf32, #tpu.memory_space<hbm>> -> memref<50x768xf32, #tpu.memory_space<hbm>>
    tpu.wait_dma2 semaphore(%arg14 : memref<!tpu.dma_semaphore, #tpu.memory_space<semaphore_mem>>) src(%arg8 : memref<50x768xf32, #tpu.memory_space<vmem>>) dst(%dma_wait3A_95 : memref<50x768xf32, #tpu.memory_space<hbm>>)
    return
  }
}

</mosaic_0001>

<sc_bundles>
// kernel: kernel.3.cloned.1.call-start
scs
__scs_entry_jumppad:
0x0: {  	(pc) =	sbr.rel $0x88, $3  }
0x1: {  	(tag) =	ssettag $0x0;
	lr =	simm.s32 $0x1  }
0x2: {  	[smem:$0x3F9E] =	sst lr;
	_ =	strace $0xD0000000  }
0x3: {  	_ = 	snop  }
0x4: {  	_ = 	snop  }
0x5: {  	_ = 	snop  }
0x6: {  	_ = 	snop  }
0x7: {  	_ = 	snop  }
__scs_overlays_trampoline_lowered:
0x8: {  	[smem:$0x3FAD] =	sst s0  }
0x9: {  	[smem:$0x3FAE] =	sst s1  }
0xa: {  	[smem:$0x3FAF] =	sst s2  }
0xb: {  	[smem:$0x3FB0] =	sst s3  }
0xc: {  	[smem:$0x3FB1] =	sst s4  }
0xd: {  	[smem:$0x3FB2] =	sst s5  }
0xe: {  	[smem:$0x3FB3] =	sst s6  }
0xf: {  	[smem:$0x3FB4] =	sst s7  }
0x10: {  	[smem:$0x3FB5] =	sst s8  }
0x11: {  	[smem:$0x3FB6] =	sst s9;
	s0 =	simm.s32 @!p0 $0x0  }
0x12: {  	s1 =	sld [smem:$0x3F9C];
	s0 =	simm.s32 @p0 $0x1  }
0x13: {  	[smem:$0x3FB7] =	sst s0;
	s0 =	simm.s32 @!p1 $0x0  }
0x14: {  	s2 =	sld [smem:$0x3F9B];
	s0 =	simm.s32 @p1 $0x1  }
0x15: {  	[smem:$0x3FB8] =	sst s0;
	s0 =	simm.s32 @!p2 $0x0  }
0x16: {  	s3 =	sld [smem:$0x3FDB];
	s0 =	simm.s32 @p2 $0x1  }
0x17: {  	s4 =	simm.s32 $0x1BF5;
	[smem:$0x3FBA] =	sst s0  }
0x18: {  	s0 =	sld [smem:$0x3F9D];
	_ =	swait.ge [sflag:s4], $0x0  }
0x19: {  	s7 =	sld [smem:$0x3F9E]  }
0x1a: {  	s8 =	sadd.s32 $0xFFFFE003, lr  }
0x1b: {  	s9 =	sadd.s32 $0xFFFFFEF7, lr;
	s5 =	simm.s32 $0xFFFFFFFF;
	p2 =	slt.u32 s8, $0xFFFFF086  }
0x1c: {  	p1 =	slt.u32 s9, $0xF7A;
	s5 =	simm.s32 @!p2 $0x0  }
0x1d: {  	s5 =	simm.s32 @p1 $0x1;
	p0 =	seq.s32 s7, s2  }
0x1e: {  	s7 =	smul.u32 @!p0 $0xF7A, s2;
	p2 =	seq.s32 @!p0 s5, $0x0  }
0x1f: {  	s9 =	smul.u32 $0xF7A, s1;
	s8 =	simm.s32 @!p0 $0x1BF5;
	p2 =	por !p2, p0  }
0x20: {  	[sflag:s8] =	ssyncset.s32 @!p0 $0xFFFFF086;
	s6 =	sadd.s32 @!p0 s3, s7;
	s7 =	simm.s32 @!p0 $0x108  }
0x21: {  	s3 =	sadd.s32 s3, s9;
	s6 =	sadd.s32 @!p0 $0x88, s6;
	s7 =	simm.s32 @p2 $0x1082  }
0x22: {  	[simem:s7], [sflag:s8] =	dma.local @!p0 [hbm:s6], $0xF7A  }
0x23: {  	s9 =	sor.u32 $0xD0000000, s2;
	s6 =	simm.s32 $0x108;
	_ =	swait.ge @!p0 [sflag:s8], $0x0  }
0x24: {  	s3 =	sadd.s32 $0x88, s3;
	s6 =	simm.s32 @!p1 $0x1082;
	[sflag:s4] =	ssyncset.s32 $0xFFFFF086  }
0x25: {  	[simem:s6], [sflag:s4] =	dma.local [hbm:s3], $0xF7A  }
0x26: {  	[smem:$0x3F9E] =	sst s1;
	(tag) =	ssettag s2;
	_ =	strace s9  }
0x27: {  	s1 =	sld [smem:$0x3FAE]  }
0x28: {  	s2 =	sld [smem:$0x3FAF]  }
0x29: {  	s4 =	sld [smem:$0x3FB1]  }
0x2a: {  	p0 =	seq.s32 s5, $0x0;
	s5 =	sld [smem:$0x3FB2]  }
0x2b: {  	s6 =	sld [smem:$0x3FB3]  }
0x2c: {  	s7 =	sld [smem:$0x3FB4]  }
0x2d: {  	s3 =	simm.s32 $0x108;
	s8 =	sld [smem:$0x3FB5]  }
0x2e: {  	s3 =	simm.s32 @!p0 $0x1082;
	s9 =	sld [smem:$0x3FB6]  }
0x2f: {  	lr =	sadd.s32 s0, s3;
	s0 =	sld [smem:$0x3FAD]  }
0x30: {  	s3 =	sld [smem:$0x3FB0]  }
0x31: {  	[smem:$0x3FB9] =	sst s10  }
0x32: {  	s10 =	sld [smem:$0x3FB7];
	_ =	sdelay $0x3  }
0x33: {  	p0 =	seq.s32 s10, $0x1;
	s10 =	sld [smem:$0x3FB9];
	_ =	sdelay $0x3  }
0x34: {  	[smem:$0x3FB9] =	sst s10  }
0x35: {  	s10 =	sld [smem:$0x3FB8];
	_ =	sdelay $0x3  }
0x36: {  	p1 =	seq.s32 s10, $0x1;
	s10 =	sld [smem:$0x3FB9];
	_ =	sdelay $0x3  }
0x37: {  	[smem:$0x3FB9] =	sst s10  }
0x38: {  	s10 =	sld [smem:$0x3FBA]  }
0x39: {  	_ = 	snop;
	(pc) =	sbr.ind lr, $3  }
0x3a: {  	_ = 	snop  }
0x3b: {  	_ = 	snop  }
0x3c: {  	p2 =	seq.s32 s10, $0x1;
	s10 =	sld [smem:$0x3FB9]  }
0x3d: {  	_ =	shalt  }
0x3e: {  	_ =	shalt  }
0x3f: {  	_ =	shalt  }
0x40: {  	_ =	shalt  }
0x41: {  	_ =	shalt  }
0x42: {  	_ =	shalt  }
0x43: {  	_ =	shalt  }
0x44: {  	_ =	shalt  }
0x45: {  	_ =	shalt  }
0x46: {  	_ =	shalt  }
0x47: {  	_ =	shalt  }
0x48: {  	_ =	shalt  }
0x49: {  	_ =	shalt  }
0x4a: {  	_ =	shalt  }
0x4b: {  	_ =	shalt  }
0x4c: {  	_ =	shalt  }
0x4d: {  	_ =	shalt  }
0x4e: {  	_ =	shalt  }
0x4f: {  	_ =	shalt  }
0x50: {  	_ =	shalt  }
0x51: {  	_ =	shalt  }
0x52: {  	_ =	shalt  }
0x53: {  	_ =	shalt  }
0x54: {  	_ =	shalt  }
0x55: {  	_ =	shalt  }
0x56: {  	_ =	shalt  }
0x57: {  	_ =	shalt  }
0x58: {  	_ =	shalt  }
0x59: {  	_ =	shalt  }
0x5a: {  	_ =	shalt  }
0x5b: {  	_ =	shalt  }
0x5c: {  	_ =	shalt  }
0x5d: {  	_ =	shalt  }
0x5e: {  	_ =	shalt  }
0x5f: {  	_ =	shalt  }
0x60: {  	_ =	shalt  }
0x61: {  	_ =	shalt  }
0x62: {  	_ =	shalt  }
0x63: {  	_ =	shalt  }
0x64: {  	_ =	shalt  }
0x65: {  	_ =	shalt  }
0x66: {  	_ =	shalt  }
0x67: {  	_ =	shalt  }
0x68: {  	_ =	shalt  }
0x69: {  	_ =	shalt  }
0x6a: {  	_ =	shalt  }
0x6b: {  	_ =	shalt  }
0x6c: {  	_ =	shalt  }
0x6d: {  	_ =	shalt  }
0x6e: {  	_ =	shalt  }
0x6f: {  	_ =	shalt  }
0x70: {  	_ =	shalt  }
0x71: {  	_ =	shalt  }
0x72: {  	_ =	shalt  }
0x73: {  	_ =	shalt  }
0x74: {  	_ =	shalt  }
0x75: {  	_ =	shalt  }
0x76: {  	_ =	shalt  }
0x77: {  	_ =	shalt  }
0x78: {  	_ =	shalt  }
0x79: {  	_ =	shalt  }
0x7a: {  	_ =	shalt  }
0x7b: {  	_ =	shalt  }
0x7c: {  	_ =	shalt  }
0x7d: {  	_ =	shalt  }
0x7e: {  	_ =	shalt  }
0x7f: {  	_ =	shalt  }
0x80: {  	_ =	shalt  }
0x81: {  	_ =	shalt  }
0x82: {  	_ =	shalt  }
0x83: {  	_ =	shalt  }
0x84: {  	_ =	shalt  }
0x85: {  	_ =	shalt  }
0x86: {  	_ =	shalt  }
0x87: {  	_ =	shalt  }
.Lfunc_end0:
.L_simem_size_0:
called_computation.1_lowered:
.L_overlay_start_0:
0x88: {  	s2 =	sld [smem:$0x3FD9]  }
0x89: {  	s3 =	sld [smem:$0x3FFE];
	_ =	sdelay $0x1  }
0x8a: {  	s1 =	srdreg.scid  }
0x8b: {  	s0 =	sand.u32 $0x1, s1  }
0x8c: {  	s17 =	sshll.u32 s0, $0xA;
	s2 =	sadd.s32 s3, s2  }
0x8d: {  	s2 =	sadd.s32 s2, s17  }
0x8e: {  	[smem:$0x3FC5] =	sst s2  }
0x8f: {  	_ = 	snop  }
0x90: {  	s2 =	sld [smem:$0x3FD0];
	(tm) =	ssettm $0x1  }
0x91: {  	s18 =	sld [smem:$0x3FFB];
	_ =	sdelay $0x3  }
0x92: {  	_ =	strace s18  }
0x93: {  	s3 =	sld [smem:$0x3FFC];
	_ =	sdelay $0x3  }
0x94: {  	_ =	strace s3  }
0x95: {  	s3 =	sld [smem:$0x3FFD];
	_ =	sdelay $0x3  }
0x96: {  	_ =	strace s3  }
0x97: {  	_ =	strace $0x8FFFFFFF  }
0x98: {  	s19 =	sld [smem:$0x3FDB];
	_ =	sdelay $0x1  }
0x99: {  	s4 =	simm.s32 $_scs_section_size  }
0x9a: {  	s5 =	simm.s32 $_size__tile_overlayer_lowered;
	s6 =	simm.s32 $_tile_overlayer_lowered  }
0x9b: {  	s22 =	simm.s32 $0x1BFF;
	s21 =	sshll.u32 s6, $0x1;
	s3 =	sadd.s32 s4, s19  }
0x9c: {  	s7 =	simm.s32 $0x0;
	s20 =	sshll.u32 s5, $0x1;
	s5 =	sadd.s32 s21, s3  }
0x9d: {  	[timem:s7], [sflag:s22] =	dma.local [hbm:s5], s20  }
0x9e: {  	_ =	swait.ge [sflag:s22], s20  }
0x9f: {  	s4 =	ssub.s32 $0x0, s20;
	[sflag:s22] =	ssyncset.done $0x0  }
0xa0: {  	[sflag:s22] =	ssyncadd.s32 s4;
	_ =	sdelay $0x1  }
0xa1: {  	s23 =	simm.s32 $0x1B8B  }
0xa2: {  	_ =	swait.ge [sflag:s23], $0x1  }
0xa3: {  	[sflag:s23] =	ssyncset.done $0x0  }
0xa4: {  	s25 =	simm.s32 $0x1B8E;
	s24 =	sld [smem:$0x3FFE];
	[sflag:s23] =	ssyncadd.s32 $0xFFFFFFFF  }
0xa5: {  	s26 =	simm.s32 $execute0_lowered;
	[smem:$0x3FD2] =	sst s25  }
0xa6: {  	s5 =	sshll.u32 s26, $0x1;
	_ =	strace $0x80000046;
	[dreg:$0x1] =	wrdreg $0xFFFFFFFF  }
0xa7: {  	s28 =	simm.s32 $_size_execute0_lowered;
	s3 =	sadd.s32 s3, s5;
	[dreg:$0x0] =	wrdreg $0x0  }
0xa8: {  	s5 =	sshll.u32 s28, $0x1;
	[dreg:$0x2] =	wrdreg s3  }
0xa9: {  	[dreg:$0x3] =	wrdreg s5  }
0xaa: {  	[dreg:$0x4] =	wrdreg $0xC0  }
0xab: {  	_ =	task [dreg:s7], $0x5FFFF  }
0xac: {  	[dreg:$0x1] =	wrdreg $0xFFFFFFFF  }
0xad: {  	[dreg:$0x0] =	wrdreg $0x60  }
0xae: {  	[dreg:$0x2] =	wrdreg s24  }
0xaf: {  	[dreg:$0x3] =	wrdreg s2  }
0xb0: {  	[dreg:$0x4] =	wrdreg $0x9  }
0xb1: {  	_ =	task.clear_ibuf [dreg:s7], $0x5FFFF;
	_ =	strace $0x90000046  }
0xb2: {  	s29 =	simm.s32 $0x9;
	_ =	strace $0x80000048  }
0xb3: {  	_ =	swait.ge [sflag:s29], $0x1  }
0xb4: {  	[sflag:s29] =	ssyncadd.s32 $0xFFFFFFFF  }
0xb5: {  	_ =	strace $0x90000048  }
0xb6: {  	_ =	sfence  }
0xb7: {  	s30 =	sld [smem:$0x0];
	_ =	sdelay $0x2  }
0xb8: {  	s31 =	sshll.u32 s1, $0xD;
	s1 =	sshrl.u32 s1, $0x2  }
0xb9: {  	s3 =	sand.u32 $0x4000, s31;
	s1 =	sadd.s32 s1, s30  }
0xba: {  	s0 =	sor.u32 s3, s0;
	s1 =	sshll.u32 s1, $0x11  }
0xbb: {  	s0 =	sor.u32 s1, s0  }
0xbc: {  	s0 =	sadd.s32 $0x8F2B, s0  }
0xbd: {  	[sflag:s0] =	ssyncadd.remote.s32 $0x1  }
0xbe: {  	_ =	sfence.sel $0xFFFF  }
0xbf: {  	[dreg:$0x0] =	wrdreg $0xFFFFFFFF;
	(pc) =	sbr.abs _section_cstart, $3  }
0xc0: {  	[dreg:$0x1] =	wrdreg $0xFFFFFFFF  }
0xc1: {  	_ =	task.clear_ibuf [dreg:s7], $0x2FFFF;
	_ =	strace $0x9FFFFFFF  }
0xc2: {  	(tm) =	ssettm $0x7FFFFFFF  }
0xc3: {  	_ =	shalt  }
tec
execute0_lowered:
.L_overlay_start_1:
0x0: {  	(tag) =	ssettag $0x1  }
0x1: {  	s0 =	srdreg.scid;
	s1 =	rddreg [dreg:$0x0]  }
0x2: {  	s12 =	stileid.u32;
	s10 =	rddreg [dreg:$0x1]  }
0x3: {  	s13 =	simm.s32 $0x7;
	s14 =	simm.s32 $0x600;
	s15 =	simm.s32 $0x9C00  }
0x4: {  	s16 =	simm.s32 $0x13200;
	s17 =	simm.s32 $0x2F;
	s18 =	simm.s32 $0xF00  }
0x5: {  	s20 =	simm.s32 $0xA500;
	s21 =	simm.s32 $0x1;
	s28 =	simm.s32 $0x3  }
0x6: {  	s29 =	simm.s32 $0x5;
	s30 =	simm.s32 $0xC0;
	s31 =	simm.s32 $0x6  }
0x7: {  	s0 =	sand.u32 $0x1, s0;
	s2 =	sshll.u32 s12, $0x6;
	s4 =	sadd.s32 $0x800, s1  }
0x8: {  	s12 =	smul.u32 $0x4B000, s12;
	s3 =	sshll.u32 s0, $0x5;
	s7 =	ssub.s32 $0x2, s0  }
0x9: {  	s0 =	smul.u32 $0x25800, s0;
	s5 =	sor.u32 s3, s2;
	s2 =	simm.s32 $0x0  }
0xa: {  	s24 =	sshrl.u32 s7, $0x1;
	s26 =	sadd.s32 s12, s10;
	s3 =	smul.u32 $0x6, s5  }
0xb: {  	[smem:$0x7FF] =	sst s2;
	s23 =	smul.u32 $0x9600, s5;
	s8 =	sor.u32 $0x1, s5  }
0xc: {  	s9 =	smul.u32 $0x12C0, s5;
	s25 =	ssub.s32 s7, s24;
	s0 =	sadd.s32 s0, s26  }
0xd: {  	s24 =	simm.s32 $0x2;
	_ =	strace $0x80000047;
	s11 =	smul.u32 $0x12C0, s8  }
0xe: {  	s8 =	smax.u32 s25, $0x1;
	s12 =	sadd.s32 $0x3840, s0;
	s25 =	simm.s32 $0x4  }
0xf: {  	s6 =	sadd.s32 s3, s1;
	s3 =	sadd.s32 $0x2200, s1;
	s1 =	sshrl.u32 s23, $0x3  }
0x10: {  	s9 =	sadd.s32 s10, s9;
	s23 =	simm.s32 $0x13B00;
	s1 =	sadd.s32 s10, s1  }
0x11: {  	s5 =	sadd.s32 $0xA00, s6;
	s10 =	sadd.s32 s10, s11;
	s11 =	sadd.s32 $0x2580, s9  }
0x12: {  	s6 =	sadd.s32 $0x23280, s1;
	s7 =	sadd.s32 $0x24540, s1;
	s1 =	simm.s32 $0x0  }
.LBB2_1:
0x13: {  	[tilespmem:s2], [sflag:$0x7] =	stream.linear.gather [hbm4b:s5+s2], $0x600, $0x38;
	[tilespmem:$0x1C800] =	vst v63  }
0x14: {  	_ =	swait.ge [sflag:s13], $0x600  }
0x15: {  	[sflag:s13] =	ssyncset.done $0x0  }
0x16: {  	[sflag:s13] =	ssyncadd.s32 $0xFFFFFA00  }
0x17: {  	[tilespmem:s14], [sflag:$0x7] =	stream.linear.gather [hbm4b:s4+s2], $0x900, $0x38;
	[tilespmem:$0x1C800] =	vst v63  }
0x18: {  	_ =	swait.ge [sflag:s13], $0x900  }
0x19: {  	[sflag:s13] =	ssyncset.done $0x0  }
0x1a: {  	[sflag:s13] =	ssyncadd.s32 $0xFFFFF700  }
0x1b: {  	[tilespmem:s15], [sflag:$0x7] =	stream.linear.gather [hbm4b:s4+s2], $0x900, $0x38;
	[tilespmem:$0x1C800] =	vst v63  }
0x1c: {  	_ =	swait.ge [sflag:s13], $0x900  }
0x1d: {  	[sflag:s13] =	ssyncset.done $0x0  }
0x1e: {  	[sflag:s13] =	ssyncadd.s32 $0xFFFFF700  }
0x1f: {  	[tilespmem:s16], [sflag:$0x7] =	stream.linear.gather [hbm4b:s4+s2], $0x900, $0x38;
	[tilespmem:$0x1C800] =	vst v63  }
0x20: {  	_ =	swait.ge [sflag:s13], $0x900  }
0x21: {  	[sflag:s13] =	ssyncset.done $0x0  }
0x22: {  	[sflag:s13] =	ssyncadd.s32 $0xFFFFF700  }
0x23: {  	[tilespmem:s18], [sflag:$0x1] =	stream.indirect.gather [hbm4b:s3+s17], $0x300, s2, s17, $0xb8;
	[tilespmem:$0x1C800] =	vst v63  }
0x24: {  	s0 =	simm.s32 $0x30  }
0x25: {  	[tilespmem:s20], [sflag:$0x2] =	stream.indirect.gather [hbm4b:s3+s17], $0x300, s0, s17, $0xb8;
	[tilespmem:$0x1C800] =	vst v63  }
0x26: {  	_ =	swait.ge [sflag:s21], $0x8D00  }
0x27: {  	[sflag:s21] =	ssyncset.done $0x0  }
0x28: {  	[sflag:s21] =	ssyncadd.s32 $0xFFFF7300  }
0x29: {  	[hbm4b:s9+s2] =	stream.linear.scatter [tilespmem:s14], [sflag:$0x4], $0x9600, $0x38;
	[tilespmem:$0x1C800] =	vst v63  }
0x2a: {  	s19 =	simm.s32 $0x60  }
0x2b: {  	[tilespmem:s23], [sflag:$0x3] =	stream.indirect.gather [hbm4b:s3+s17], $0x300, s19, s17, $0xb8;
	[tilespmem:$0x1C800] =	vst v63  }
0x2c: {  	_ =	swait.ge [sflag:s24], $0x8D00  }
0x2d: {  	[sflag:s24] =	ssyncset.done $0x0  }
0x2e: {  	[sflag:s24] =	ssyncadd.s32 $0xFFFF7300  }
0x2f: {  	[hbm4b:s10+s2] =	stream.linear.scatter [tilespmem:s15], [sflag:$0x5], $0x9600, $0x38;
	[tilespmem:$0x1C800] =	vst v63  }
0x30: {  	_ =	swait.ge [sflag:s25], $0x9600  }
0x31: {  	[sflag:s25] =	ssyncset.done $0x0  }
0x32: {  	s22 =	simm.s32 $0x90;
	[sflag:s25] =	ssyncadd.s32 $0xFFFF6A00  }
0x33: {  	[tilespmem:s18], [sflag:$0x1] =	stream.indirect.gather [hbm4b:s3+s17], $0x300, s22, s17, $0xb8;
	[tilespmem:$0x1C800] =	vst v63  }
0x34: {  	_ =	swait.ge [sflag:s28], $0x8D00  }
0x35: {  	[sflag:s28] =	ssyncset.done $0x0  }
0x36: {  	[sflag:s28] =	ssyncadd.s32 $0xFFFF7300  }
0x37: {  	[hbm4b:s11+s2] =	stream.linear.scatter [tilespmem:s16], [sflag:$0x6], $0x9600, $0x38;
	[tilespmem:$0x1C800] =	vst v63  }
0x38: {  	_ =	swait.ge [sflag:s29], $0x9600  }
0x39: {  	[sflag:s29] =	ssyncset.done $0x0  }
0x3a: {  	[sflag:s29] =	ssyncadd.s32 $0xFFFF6A00  }
0x3b: {  	[tilespmem:s20], [sflag:$0x2] =	stream.indirect.gather [hbm4b:s3+s17], $0x300, s30, s17, $0xb8;
	[tilespmem:$0x1C800] =	vst v63  }
0x3c: {  	_ =	swait.ge [sflag:s21], $0x8D00  }
0x3d: {  	[sflag:s21] =	ssyncset.done $0x0  }
0x3e: {  	[sflag:s21] =	ssyncadd.s32 $0xFFFF7300  }
0x3f: {  	[hbm4b:s12+s2] =	stream.linear.scatter [tilespmem:s14], [sflag:$0x4], $0x9600, $0x38;
	[tilespmem:$0x1C800] =	vst v63  }
0x40: {  	_ =	swait.ge [sflag:s31], $0x9600  }
0x41: {  	[sflag:s31] =	ssyncset.done $0x0  }
0x42: {  	s26 =	simm.s32 $0xF0;
	[sflag:s31] =	ssyncadd.s32 $0xFFFF6A00  }
0x43: {  	[tilespmem:s23], [sflag:$0x3] =	stream.indirect.gather [hbm4b:s3+s17], $0x300, s26, s17, $0xb8;
	[tilespmem:$0x1C800] =	vst v63  }
0x44: {  	_ =	swait.ge [sflag:s24], $0x8D00  }
0x45: {  	[sflag:s24] =	ssyncset.done $0x0  }
0x46: {  	s19 =	sadd.s32 $0x12C0, s12;
	[sflag:s24] =	ssyncadd.s32 $0xFFFF7300  }
0x47: {  	[hbm4b:s19+s2] =	stream.linear.scatter [tilespmem:s15], [sflag:$0x5], $0x9600, $0x38;
	[tilespmem:$0x1C800] =	vst v63  }
0x48: {  	_ =	swait.ge [sflag:s25], $0x9600  }
0x49: {  	[sflag:s25] =	ssyncset.done $0x0  }
0x4a: {  	s22 =	simm.s32 $0x120;
	[sflag:s25] =	ssyncadd.s32 $0xFFFF6A00  }
0x4b: {  	[tilespmem:s18], [sflag:$0x1] =	stream.indirect.gather [hbm4b:s3+s17], $0x300, s22, s17, $0xb8;
	[tilespmem:$0x1C800] =	vst v63  }
0x4c: {  	_ =	swait.ge [sflag:s28], $0x8D00  }
0x4d: {  	[sflag:s28] =	ssyncset.done $0x0  }
0x4e: {  	s26 =	sadd.s32 $0x2580, s12;
	[sflag:s28] =	ssyncadd.s32 $0xFFFF7300  }
0x4f: {  	[hbm4b:s26+s2] =	stream.linear.scatter [tilespmem:s16], [sflag:$0x6], $0x9600, $0x38;
	[tilespmem:$0x1C800] =	vst v63  }
0x50: {  	_ =	swait.ge [sflag:s29], $0x9600  }
0x51: {  	s0 =	simm.s32 $0x240;
	[sflag:s29] =	ssyncset.done $0x0  }
0x52: {  	s19 =	sadd.s32 $0x3840, s12;
	s22 =	simm.s32 $0x150;
	[sflag:s29] =	ssyncadd.s32 $0xFFFF6A00  }
.LBB2_2:
0x53: {  	[tilespmem:s20], [sflag:$0x2] =	stream.indirect.gather [hbm4b:s3+s17], $0x300, s22, s17, $0xb8;
	[tilespmem:$0x1C800] =	vst v63  }
0x54: {  	s22 =	smov.u32 s0  }
0x55: {  	p0 =	sne.s32 s0, $0x1200;
	s0 =	sadd.s32 $0x240, s0;
	_ =	swait.ge [sflag:s21], $0x8D00  }
0x56: {  	[sflag:s21] =	ssyncset.done $0x0  }
0x57: {  	[sflag:s21] =	ssyncadd.s32 $0xFFFF7300  }
0x58: {  	[hbm4b:s19+s2] =	stream.linear.scatter [tilespmem:s14], [sflag:$0x4], $0x9600, $0x38;
	[tilespmem:$0x1C800] =	vst v63  }
0x59: {  	_ =	swait.ge [sflag:s31], $0x9600  }
0x5a: {  	s22 =	sshra.s32 s22, $0x2;
	[sflag:s31] =	ssyncset.done $0x0  }
0x5b: {  	s26 =	sadd.s32 $0xF0, s22;
	[sflag:s31] =	ssyncadd.s32 $0xFFFF6A00  }
0x5c: {  	[tilespmem:s23], [sflag:$0x3] =	stream.indirect.gather [hbm4b:s3+s17], $0x300, s26, s17, $0xb8;
	[tilespmem:$0x1C800] =	vst v63  }
0x5d: {  	_ =	swait.ge [sflag:s24], $0x8D00  }
0x5e: {  	[sflag:s24] =	ssyncset.done $0x0  }
0x5f: {  	s26 =	sadd.s32 $0x12C0, s19;
	[sflag:s24] =	ssyncadd.s32 $0xFFFF7300  }
0x60: {  	[hbm4b:s26+s2] =	stream.linear.scatter [tilespmem:s15], [sflag:$0x5], $0x9600, $0x38;
	[tilespmem:$0x1C800] =	vst v63  }
0x61: {  	_ =	swait.ge [sflag:s25], $0x9600  }
0x62: {  	[sflag:s25] =	ssyncset.done $0x0  }
0x63: {  	s26 =	sadd.s32 $0x120, s22;
	[sflag:s25] =	ssyncadd.s32 $0xFFFF6A00  }
0x64: {  	[tilespmem:s18], [sflag:$0x1] =	stream.indirect.gather [hbm4b:s3+s17], $0x300, s26, s17, $0xb8;
	[tilespmem:$0x1C800] =	vst v63  }
0x65: {  	_ =	swait.ge [sflag:s28], $0x8D00  }
0x66: {  	[sflag:s28] =	ssyncset.done $0x0  }
.Ltmp0:
0x67: {  	s26 =	sadd.s32 $0x2580, s19;
	[sflag:s28] =	ssyncadd.s32 $0xFFFF7300;
	(pc) =	sbr.rel @p0 .LBB2_2-.Ltmp0, $4  }
0x68: {  	[hbm4b:s26+s2] =	stream.linear.scatter [tilespmem:s16], [sflag:$0x6], $0x9600, $0x38;
	[tilespmem:$0x1C800] =	vst v63  }
0x69: {  	_ =	swait.ge [sflag:s29], $0x9600  }
0x6a: {  	[sflag:s29] =	ssyncset.done $0x0  }
0x6b: {  	s22 =	sadd.s32 $0x150, s22;
	s19 =	sadd.s32 $0x3840, s19;
	[sflag:s29] =	ssyncadd.s32 $0xFFFF6A00  }
0x6c: {  	[tilespmem:s20], [sflag:$0x2] =	stream.indirect.gather [hbm4b:s3+s17], $0x300, s22, s17, $0xb8;
	[tilespmem:$0x1C800] =	vst v63  }
0x6d: {  	_ =	swait.ge [sflag:s21], $0x8D00  }
0x6e: {  	[sflag:s21] =	ssyncset.done $0x0  }
0x6f: {  	[sflag:s21] =	ssyncadd.s32 $0xFFFF7300  }
0x70: {  	[hbm4b:s6+s2] =	stream.linear.scatter [tilespmem:s14], [sflag:$0x4], $0x9600, $0x38;
	[tilespmem:$0x1C800] =	vst v63  }
0x71: {  	_ =	swait.ge [sflag:s24], $0x8D00  }
0x72: {  	[sflag:s24] =	ssyncset.done $0x0  }
0x73: {  	[sflag:s24] =	ssyncadd.s32 $0xFFFF7300  }
0x74: {  	[hbm4b:s7+s2] =	stream.linear.scatter [tilespmem:s15], [sflag:$0x5], $0x9600, $0x38;
	[tilespmem:$0x1C800] =	vst v63  }
0x75: {  	_ =	swait.ge [sflag:s31], $0x9600  }
0x76: {  	[sflag:s31] =	ssyncset.done $0x0  }
0x77: {  	s1 =	sadd.s32 $0x1, s1;
	[sflag:s31] =	ssyncadd.s32 $0xFFFF6A00  }
0x78: {  	p0 =	sne.s32 s1, s8;
	_ =	swait.ge [sflag:s25], $0x9600  }
.Ltmp1:
0x79: {  	[sflag:s25] =	ssyncset.done $0x0;
	(pc) =	sbr.rel @p0 .LBB2_1-.Ltmp1, $4  }
0x7a: {  	[sflag:s25] =	ssyncadd.s32 $0xFFFF6A00  }
0x7b: {  	_ =	swait.ge [sflag:s29], $0x9600  }
0x7c: {  	[sflag:s29] =	ssyncset.done $0x0  }
0x7d: {  	[sflag:s29] =	ssyncadd.s32 $0xFFFF6A00  }
0x7e: {  	_ =	sfence.sel $0x180000  }
0x7f: {  	[bflag:$0x0] =	sbarrier.arrive $0xFFFF  }
0x80: {  	_ =	strace $0x90000047  }
0x81: {  	s0 =	stileid.u32;
	[bflag:$0x2] =	sbarrier.arrive $0xFFFF  }
0x82: {  	p0 =	sne.s32 s0, $0x0;
	s0 =	rddreg [dreg:$0x2]  }
0x83: {  	s0 =	sadd.s32 @!p0 $0x100000, s0  }
0x84: {  	[sflag:s0] =	ssyncadd.tile.s32 @!p0 $0x1;
	_ =	shalt  }
.Lfunc_end2:
_tile_overlayer_lowered:
.L_overlay_start_2:
0x85: {  	(tag) =	ssettag $0x2  }
0x86: {  	s0 =	rddreg [dreg:$0x0];
	s2 =	stileid.u32  }
0x87: {  	s1 =	rddreg [dreg:$0x1];
	p0 =	sne.s32 s2, $0x0  }
0x88: {  	s3 =	rddreg [dreg:$0x2];
	[bflag:$0x3] =	sbarrier.arrive $0xFFFF;
	s2 =	simm.s32 @!p0 $0x1C07  }
0x89: {  	[timem:s3], [sflag:s2] =	dma.local @!p0 [hbm:s0], s1  }
0x8a: {  	s0 =	simm.s32 @!p0 $0x7  }
0x8b: {  	_ =	swait.ge @!p0 [sflag:s0], s1  }
0x8c: {  	s1 =	ssub.s32 @!p0 $0x0, s1;
	[sflag:s0] =	ssyncset.done @!p0 $0x0  }
0x8d: {  	[sflag:s0] =	ssyncadd.s32 @!p0 s1  }
0x8e: {  	[bflag:$0x3] =	sbarrier.arrive $0xFFFF  }
0x8f: {  	_ =	shalt  }

// kernel: sparse-core-data-format-call.cloned.1.call-start
scs
called_computation_lowered:
.L_overlay_start_0:
0x0: {  	s2 =	sld [smem:$0x3FD9]  }
0x1: {  	s3 =	sld [smem:$0x3FFE];
	_ =	sdelay $0x1  }
0x2: {  	s1 =	srdreg.scid  }
0x3: {  	s0 =	sand.u32 $0x1, s1  }
0x4: {  	s18 =	sshll.u32 s0, $0xA;
	s2 =	sadd.s32 s3, s2  }
0x5: {  	s2 =	sadd.s32 s2, s18  }
0x6: {  	[smem:$0x3FC5] =	sst s2  }
0x7: {  	_ = 	snop  }
0x8: {  	s2 =	sld [smem:$0x3FD0];
	(tm) =	ssettm $0x1  }
0x9: {  	s19 =	sld [smem:$0x3FFB];
	_ =	sdelay $0x3  }
0xa: {  	_ =	strace s19  }
0xb: {  	s3 =	sld [smem:$0x3FFC];
	_ =	sdelay $0x3  }
0xc: {  	_ =	strace s3  }
0xd: {  	s3 =	sld [smem:$0x3FFD];
	_ =	sdelay $0x3  }
0xe: {  	_ =	strace s3  }
0xf: {  	_ =	strace $0x8FFFFFFF  }
0x10: {  	s20 =	sld [smem:$0x3FDB];
	_ =	sdelay $0x1  }
0x11: {  	s4 =	simm.s32 $_scs_section_size  }
0x12: {  	s5 =	simm.s32 $_size__tile_overlayer_lowered;
	s6 =	simm.s32 $_tile_overlayer_lowered  }
0x13: {  	s23 =	simm.s32 $0x1BFF;
	s22 =	sshll.u32 s6, $0x1;
	s3 =	sadd.s32 s4, s20  }
0x14: {  	s7 =	simm.s32 $0x0;
	s21 =	sshll.u32 s5, $0x1;
	s5 =	sadd.s32 s22, s3  }
0x15: {  	[timem:s7], [sflag:s23] =	dma.local [hbm:s5], s21  }
0x16: {  	_ =	swait.ge [sflag:s23], s21  }
0x17: {  	s4 =	ssub.s32 $0x0, s21;
	[sflag:s23] =	ssyncset.done $0x0  }
0x18: {  	[sflag:s23] =	ssyncadd.s32 s4;
	_ =	sdelay $0x1  }
0x19: {  	s24 =	simm.s32 $0x1B8B  }
0x1a: {  	_ =	swait.ge [sflag:s24], $0x1  }
0x1b: {  	[sflag:s24] =	ssyncset.done $0x0  }
0x1c: {  	s26 =	simm.s32 $0x1B8E;
	s25 =	sld [smem:$0x3FFE];
	[sflag:s24] =	ssyncadd.s32 $0xFFFFFFFF  }
0x1d: {  	s27 =	simm.s32 $execute0_lowered;
	[smem:$0x3FD2] =	sst s26  }
0x1e: {  	s5 =	sshll.u32 s27, $0x1;
	_ =	strace $0x80000049;
	[dreg:$0x1] =	wrdreg $0xFFFFFFFF  }
0x1f: {  	s28 =	simm.s32 $_size_execute0_lowered;
	s3 =	sadd.s32 s3, s5;
	[dreg:$0x0] =	wrdreg $0x0  }
0x20: {  	s5 =	sshll.u32 s28, $0x1;
	[dreg:$0x2] =	wrdreg s3  }
0x21: {  	[dreg:$0x3] =	wrdreg s5  }
0x22: {  	[dreg:$0x4] =	wrdreg $0xC0  }
0x23: {  	_ =	task [dreg:s7], $0x5FFFF  }
0x24: {  	[dreg:$0x1] =	wrdreg $0xFFFFFFFF  }
0x25: {  	[dreg:$0x0] =	wrdreg $0x60  }
0x26: {  	[dreg:$0x2] =	wrdreg s25  }
0x27: {  	[dreg:$0x3] =	wrdreg s2  }
0x28: {  	[dreg:$0x4] =	wrdreg $0x9  }
0x29: {  	_ =	task.clear_ibuf [dreg:s7], $0x5FFFF;
	_ =	strace $0x90000049  }
0x2a: {  	s29 =	simm.s32 $0x9;
	_ =	strace $0x8000004B  }
0x2b: {  	_ =	swait.ge [sflag:s29], $0x1  }
0x2c: {  	[sflag:s29] =	ssyncadd.s32 $0xFFFFFFFF  }
0x2d: {  	_ =	strace $0x9000004B  }
0x2e: {  	_ =	sfence  }
0x2f: {  	s30 =	sld [smem:$0x0];
	_ =	sdelay $0x2  }
0x30: {  	s31 =	sshll.u32 s1, $0xD;
	s1 =	sshrl.u32 s1, $0x2  }
0x31: {  	s3 =	sand.u32 $0x4000, s31;
	s1 =	sadd.s32 s1, s30  }
0x32: {  	s0 =	sor.u32 s3, s0;
	s1 =	sshll.u32 s1, $0x11  }
0x33: {  	s0 =	sor.u32 s1, s0  }
0x34: {  	s0 =	sadd.s32 $0x8F2B, s0  }
0x35: {  	[sflag:s0] =	ssyncadd.remote.s32 $0x1  }
0x36: {  	_ =	sfence.sel $0xFFFF  }
0x37: {  	[dreg:$0x0] =	wrdreg $0xFFFFFFFF;
	(pc) =	sbr.abs _section_cstart, $3  }
0x38: {  	[dreg:$0x1] =	wrdreg $0xFFFFFFFF  }
0x39: {  	_ =	task.clear_ibuf [dreg:s7], $0x2FFFF;
	_ =	strace $0x9FFFFFFF  }
0x3a: {  	(tm) =	ssettm $0x7FFFFFFF  }
0x3b: {  	_ =	shalt  }
tec
execute0_lowered:
.L_overlay_start_1:
0x0: {  	(tag) =	ssettag $0x1  }
0x1: {  	s0 =	stileid.u32  }
0x2: {  	s1 =	srdreg.scid;
	s2 =	sshll.u32 s0, $0x7  }
0x3: {  	s7 =	rddreg [dreg:$0x0];
	s3 =	sshll.u32 s1, $0x4;
	s1 =	sand.u32 $0x380, s2  }
0x4: {  	s8 =	simm.s32 $0x2;
	s30 =	sand.u32 $0x10, s3;
	s31 =	ssub.s32 $0x400, s1  }
0x5: {  	s16 =	simm.s32 $0x0;
	s2 =	sor.u32 s0, s30;
	s4 =	sand.u32 $0x380, s31  }
0x6: {  	s2 =	sshrl.u32 s2, $0x3;
	p0 =	sne.s32 s4, $0x0;
	s4 =	simm.s32 $0x1  }
0x7: {  	s3 =	sshrl.u32 s31, $0xA;
	s5 =	ssub.s32 $0x35, s2;
	s4 =	simm.s32 @!p0 $0x0  }
0x8: {  	s9 =	simm.s32 $0x1800;
	s5 =	sshrl.u32 s5, $0x2;
	s3 =	sadd.s32 s4, s3  }
0x9: {  	s10 =	simm.s32 $0x0;
	s15 =	simm.s32 $0x0;
	s6 =	smul.u32 s3, s5  }
.Ltmp0:
0xa: {  	s17 =	simm.s32 $0x0;
	s4 =	rddreg [dreg:$0x1];
	(pc) =	sbr.rel .LBB1_1-.Ltmp0, $4  }
0xb: {  	s11 =	simm.s32 $0x0;
	s14 =	simm.s32 $0x0;
	s3 =	rddreg [dreg:$0x2]  }
0xc: {  	_ =	strace $0x8000004A;
	s5 =	simm.s32 $0x1;
	s6 =	smul.u32 $0x6, s6  }
0xd: {  	s7 =	sadd.s32 $0x800, s7;
	s13 =	smov.u32 s1;
	[sflag:s5] =	ssyncpa.u1 $0x0  }
0xe: {  	s12 =	smov.u32 s2;
	[sflag:s8] =	ssyncpa.u1 $0x0;
	s8 =	sor.u32 $0x1, s6  }
.LBB1_4:
0xf: {  	_ =	sdelay $0x2  }
0x10: {  	s21 =	sshrl.u32 s17, $0x3  }
0x11: {  	[tilespmem:v0+s20+$0xFFFFFFD0 ss:$0x1] =	vst.idx.msk $0xffff, v7;
	s22 =	sshll.u32 s16, $0x3;
	s21 =	smul.u32 $0x1800, s21  }
0x12: {  	v56 =	vld.idx.msk [tilespmem:v1+s19+$0x0 ss:$0x1], $0xffff;
	[tilespmem:v0+s20+$0xFFFFFFE0 ss:$0x1] =	vst.idx.msk $0xffff, v5;
	s27 =	sshll.u32 s17, $0x7;
	s22 =	sand.u32 $0xFFFFFC00, s22  }
0x13: {  	v57 =	vld.idx.msk [tilespmem:v1+s19+$0xFFFFFF90 ss:$0x1], $0xffff;
	[tilespmem:v0+s20+$0xFFFFFFF0 ss:$0x1] =	vst.idx.msk $0xffff, v4;
	s17 =	sand.u32 $0x380, s27;
	s21 =	sadd.s32 s21, s22  }
0x14: {  	v58 =	vld.idx.msk [tilespmem:v1+s19+$0xFFFFFFA0 ss:$0x1], $0xffff;
	[tilespmem:v0+s20+$0x0 ss:$0x1] =	vst.idx.msk $0xffff, v2;
	s28 =	sand.u32 $0x7F, s16;
	s17 =	sor.u32 s17, s21  }
0x15: {  	v59 =	vld.idx.msk [tilespmem:v1+s19+$0xFFFFFFB0 ss:$0x1], $0xffff;
	[tilespmem:v0+s20+$0x10 ss:$0x1] =	vst.idx.msk $0xffff, v3;
	s16 =	sor.u32 s28, s17  }
0x16: {  	v60 =	vld.idx.msk [tilespmem:v1+s19+$0xFFFFFFC0 ss:$0x1], $0xffff;
	[tilespmem:v0+s20+$0x20 ss:$0x1] =	vst.idx.msk $0xffff, v6;
	s29 =	smulhi.u32 $0xAAAAAAAB, s16  }
0x17: {  	v61 =	vld.idx.msk [tilespmem:v1+s19+$0xFFFFFFD0 ss:$0x1], $0xffff;
	[tilespmem:v0+s19+$0x30 ss:$0x1] =	vst.idx.msk $0xffff, v56;
	s17 =	smulhi.u32 $0xAAAAAAAB, s17  }
0x18: {  	v62 =	vld.idx.msk [tilespmem:v1+s19+$0xFFFFFFE0 ss:$0x1], $0xffff;
	[tilespmem:v0+s19+$0xFFFFFFC0 ss:$0x1] =	vst.idx.msk $0xffff, v57;
	s20 =	sshrl.u32 s29, $0x9  }
0x19: {  	v63 =	vld.idx.msk [tilespmem:v1+s19+$0xFFFFFFF0 ss:$0x1], $0xffff;
	[tilespmem:v0+s19+$0xFFFFFFD0 ss:$0x1] =	vst.idx.msk $0xffff, v58;
	s17 =	sshrl.u32 s17, $0x9;
	s20 =	smul.u32 $0x300, s20  }
0x1a: {  	s15 =	smul.u32 $0x18000, s15;
	[tilespmem:v0+s19+$0xFFFFFFE0 ss:$0x1] =	vst.idx.msk $0xffff, v59;
	s17 =	sand.u32 $0x3FF, s17  }
0x1b: {  	[tilespmem:v0+s19+$0xFFFFFFF0 ss:$0x1] =	vst.idx.msk $0xffff, v60;
	s17 =	smul.u32 $0x60, s17;
	s16 =	ssub.s32 s16, s20  }
0x1c: {  	s15 =	sadd.s32 s4, s15;
	[tilespmem:v0+s19+$0x0 ss:$0x1] =	vst.idx.msk $0xffff, v61;
	s20 =	sand.u32 $0x7, s16  }
0x1d: {  	[tilespmem:v0+s19+$0x10 ss:$0x1] =	vst.idx.msk $0xffff, v62;
	s15 =	sadd.s32 s17, s15;
	s16 =	sshrl.u32 s16, $0x3;
	s30 =	sshll.u32 s20, $0x12  }
0x1e: {  	[tilespmem:v0+s19+$0x20 ss:$0x1] =	vst.idx.msk $0xffff, v63;
	s15 =	sadd.s32 s16, s15;
	s31 =	sor.u32 $0x400, s30  }
0x1f: {  	[hbm4b:s15+s31] =	stream.strided.scatter [tilespmem:s18], [sflag:$0x2], $0x4000, s9, s31, $0x38;
	[tilespmem:$0x10000] =	vst v63  }
.LBB1_5:
0x20: {  	s18 =	sadd.s32 $0x80, s11  }
0x21: {  	s15 =	sadd.s32 $0x4, s12;
	s19 =	smov.u32 s12;
	p1 =	sgt.s32 s18, $0x2FF  }
0x22: {  	s19 =	smov.u32 @p1 s15  }
0x23: {  	s21 =	smov.u32 s13;
	s15 =	sadd.s32 $0x400, s13;
	p2 =	sgt.s32 s19, $0x31  }
0x24: {  	s21 =	smov.u32 @p2 s15  }
0x25: {  	s18 =	simm.s32 @p1 $0x0;
	p1 =	sgt.s32 s21, $0x3FF  }
0x26: {  	p0 =	slt.u32 s14, $0x2;
	s21 =	smov.u32 @p1 s1;
	p1 =	sne.s32 s14, s8  }
.Ltmp1:
0x27: {  	s20 =	simm.s32 @!p0 $0x2;
	(pc) =	sbr.rel @!p1 .LBB1_6-.Ltmp1, $4  }
0x28: {  	s16 =	smov.u32 s11;
	s17 =	smov.u32 s13;
	_ =	swait.ge @!p0 [sflag:s20], $0x4000  }
0x29: {  	s10 =	sadd.s32 $0x4000, s10;
	[sflag:s20] =	ssyncset.done @!p0 $0x0;
	s11 =	smov.u32 s18  }
0x2a: {  	s19 =	smov.u32 @p2 s2;
	s15 =	smov.u32 s12;
	[sflag:s20] =	ssyncadd.s32 @!p0 $0xFFFFC000  }
0x2b: {  	s12 =	smov.u32 s19;
	s14 =	sadd.s32 $0x1, s14;
	s13 =	smov.u32 s21  }
.LBB1_1:
0x2c: {  	p0 =	sge.u32 s14, s6  }
0x2d: {  	s18 =	sshrl.u32 @!p0 s12, $0x3  }
0x2e: {  	s19 =	sshll.u32 @!p0 s11, $0x3;
	s18 =	smul.u32 @!p0 $0x1800, s18  }
0x2f: {  	s20 =	sshll.u32 @!p0 s12, $0x7;
	s19 =	sand.u32 @!p0 $0xFFFFFC00, s19  }
0x30: {  	s18 =	sadd.s32 @!p0 s18, s19;
	s19 =	sand.u32 @!p0 $0x380, s20  }
0x31: {  	s18 =	sor.u32 @!p0 s19, s18  }
0x32: {  	s19 =	sand.u32 @!p0 $0x7F, s11;
	s20 =	smulhi.u32 @!p0 $0xAAAAAAAB, s18  }
0x33: {  	s18 =	sor.u32 @!p0 s19, s18  }
0x34: {  	s19 =	smulhi.u32 @!p0 $0xAAAAAAAB, s18;
	s20 =	sshrl.u32 @!p0 s20, $0x9  }
0x35: {  	s21 =	smulhi.u32 @!p0 $0x4924925, s20;
	_ =	sdelay $0x1  }
0x36: {  	s19 =	sshrl.u32 @!p0 s19, $0x9;
	s21 =	smul.u32 @!p0 $0x38, s21  }
0x37: {  	s31 =	sadd.s32 $0xFFFFFFFF, s14;
	s19 =	smul.u32 @!p0 $0x300, s19  }
0x38: {  	s22 =	sxor.u32 @!p0 $0xFFFFFFFF, s14;
	s20 =	ssub.s32 @!p0 s20, s21;
	s21 =	smul.u32 @!p0 $0x1500, s13  }
0x39: {  	s22 =	sshll.u32 @!p0 s22, $0xE;
	s18 =	ssub.s32 @!p0 s18, s19;
	s19 =	smul.u32 @!p0 $0x60, s20  }
0x3a: {  	s20 =	sand.u32 @!p0 $0x4000, s22;
	s22 =	sand.u32 @!p0 $0x7, s18;
	s21 =	sadd.s32 @!p0 s7, s21  }
0x3b: {  	s18 =	sshrl.u32 @!p0 s18, $0x3;
	s19 =	sadd.s32 @!p0 s19, s21;
	s21 =	sshll.u32 @!p0 s22, $0x12  }
0x3c: {  	s18 =	sadd.s32 @!p0 s18, s19;
	s19 =	sor.u32 @!p0 $0x80, s21;
	s21 =	simm.s32 @!p0 $0xA800  }
0x3d: {  	[tilespmem:s20], [sflag:$0x1] =	stream.strided.gather @!p0 [hbm4b:s18+s19], $0x4000, s21, s19, $0x38;
	[tilespmem:$0x10000] =	vst v63  }
0x3e: {  	p0 =	sge.u32 s31, s6  }
.Ltmp2:
0x3f: {  	_ = 	snop;
	(pc) =	sbr.rel @p0 .LBB1_5-.Ltmp2, $1  }
0x40: {  	_ =	sdelay $0x3  }
0x41: {  	s18 =	sand.u32 $0x4000, s10  }
0x42: {  	s19 =	sor.u32 $0x70, s18  }
0x43: {  	v1 =	vmov s19;
	_ =	sdelay $0x1  }
0x44: {  	_ =	swait.ge [sflag:s5], $0x4000  }
0x45: {  	[sflag:s5] =	ssyncset.done $0x0  }
0x46: {  	s20 =	simm.s32 $0x0;
	[sflag:s5] =	ssyncadd.s32 $0xFFFFC000  }
0x47: {  	s18 =	sor.u32 $0x8040, s18;
	v6 =	vld.idx.msk [tilespmem:v1+s20+$0x0 ss:$0x1], $0xffff  }
0x48: {  	v0 =	vmov s18;
	v8 =	vld.idx.msk [tilespmem:v1+s20+$0xFFFFFF90 ss:$0x1], $0xffff  }
0x49: {  	v7 =	vld.idx.msk [tilespmem:v1+s20+$0xFFFFFFA0 ss:$0x1], $0xffff  }
0x4a: {  	v5 =	vld.idx.msk [tilespmem:v1+s20+$0xFFFFFFB0 ss:$0x1], $0xffff  }
0x4b: {  	v4 =	vld.idx.msk [tilespmem:v1+s20+$0xFFFFFFC0 ss:$0x1], $0xffff  }
0x4c: {  	s31 =	sshll.u32 s14, $0xE;
	v2 =	vld.idx.msk [tilespmem:v1+s20+$0xFFFFFFD0 ss:$0x1], $0xffff  }
0x4d: {  	s18 =	sand.u32 $0x4000, s31;
	v3 =	vld.idx.msk [tilespmem:v1+s20+$0xFFFFFFE0 ss:$0x1], $0xffff;
	[tilespmem:v0+s20+$0x30 ss:$0x1] =	vst.idx.msk $0xffff, v6  }
0x4e: {  	s21 =	simm.s32 $0x400;
	s19 =	simm.s32 $0x80;
	s18 =	sor.u32 $0x8000, s18;
	[tilespmem:v0+s20+$0xFFFFFFC0 ss:$0x1] =	vst.idx.msk $0xffff, v8;
	v6 =	vld.idx.msk [tilespmem:v1+s20+$0xFFFFFFF0 ss:$0x1], $0xffff  }
.LBB1_3:
0x4f: {  	p0 =	sne.s32 s21, $0xFE00;
	v8 =	vld.idx.msk [tilespmem:v1+s19+$0x0 ss:$0x1], $0xffff;
	[tilespmem:v0+s20+$0xFFFFFFD0 ss:$0x1] =	vst.idx.msk $0xffff, v7  }
0x50: {  	v9 =	vld.idx.msk [tilespmem:v1+s19+$0xFFFFFF90 ss:$0x1], $0xffff;
	[tilespmem:v0+s20+$0xFFFFFFE0 ss:$0x1] =	vst.idx.msk $0xffff, v5  }
0x51: {  	v7 =	vld.idx.msk [tilespmem:v1+s19+$0xFFFFFFA0 ss:$0x1], $0xffff;
	[tilespmem:v0+s20+$0xFFFFFFF0 ss:$0x1] =	vst.idx.msk $0xffff, v4  }
.Ltmp3:
0x52: {  	v5 =	vld.idx.msk [tilespmem:v1+s19+$0xFFFFFFB0 ss:$0x1], $0xffff;
	[tilespmem:v0+s20+$0x0 ss:$0x1] =	vst.idx.msk $0xffff, v2;
	(pc) =	sbr.rel @p0 .LBB1_3-.Ltmp3, $4  }
0x53: {  	v4 =	vld.idx.msk [tilespmem:v1+s19+$0xFFFFFFC0 ss:$0x1], $0xffff;
	[tilespmem:v0+s20+$0x10 ss:$0x1] =	vst.idx.msk $0xffff, v3  }
0x54: {  	v2 =	vld.idx.msk [tilespmem:v1+s19+$0xFFFFFFD0 ss:$0x1], $0xffff;
	[tilespmem:v0+s20+$0x20 ss:$0x1] =	vst.idx.msk $0xffff, v6;
	s20 =	smov.u32 s19  }
0x55: {  	v3 =	vld.idx.msk [tilespmem:v1+s20+$0xFFFFFFE0 ss:$0x1], $0xffff;
	[tilespmem:v0+s20+$0x30 ss:$0x1] =	vst.idx.msk $0xffff, v8  }
0x56: {  	s19 =	sshra.s32 s21, $0x2;
	s21 =	sadd.s32 $0x200, s21;
	[tilespmem:v0+s20+$0xFFFFFFC0 ss:$0x1] =	vst.idx.msk $0xffff, v9;
	v6 =	vld.idx.msk [tilespmem:v1+s20+$0xFFFFFFF0 ss:$0x1], $0xffff  }
.Ltmp4:
0x57: {  	_ = 	snop;
	(pc) =	sbr.rel .LBB1_4-.Ltmp4, $1  }
0x58: {  	_ =	sdelay $0x3  }
.LBB1_6:
0x59: {  	_ =	sfence.sel $0x180000  }
0x5a: {  	s1 =	simm.s32 $0x1;
	[bflag:$0x0] =	sbarrier.arrive $0xFFFF  }
0x5b: {  	s31 =	simm.s32 $0x2;
	[sflag:s1] =	ssyncpa.u1 $0x1  }
0x5c: {  	[sflag:s31] =	ssyncpa.u1 $0x1  }
0x5d: {  	p0 =	sne.s32 s0, $0x0;
	_ =	strace $0x9000004A  }
0x5e: {  	s0 =	sadd.s32 @!p0 $0x100000, s3;
	[bflag:$0x2] =	sbarrier.arrive $0xFFFF  }
0x5f: {  	[sflag:s0] =	ssyncadd.tile.s32 @!p0 $0x1;
	_ =	shalt  }
.Lfunc_end1:
_tile_overlayer_lowered:
.L_overlay_start_2:
0x60: {  	(tag) =	ssettag $0x2  }
0x61: {  	s0 =	rddreg [dreg:$0x0];
	s2 =	stileid.u32  }
0x62: {  	s1 =	rddreg [dreg:$0x1];
	p0 =	sne.s32 s2, $0x0  }
0x63: {  	s3 =	rddreg [dreg:$0x2];
	[bflag:$0x3] =	sbarrier.arrive $0xFFFF;
	s2 =	simm.s32 @!p0 $0x1C01  }
0x64: {  	[timem:s3], [sflag:s2] =	dma.local @!p0 [hbm:s0], s1  }
0x65: {  	s0 =	simm.s32 @!p0 $0x1  }
0x66: {  	_ =	swait.ge @!p0 [sflag:s0], s1  }
0x67: {  	s1 =	ssub.s32 @!p0 $0x0, s1;
	[sflag:s0] =	ssyncset.done @!p0 $0x0  }
0x68: {  	[sflag:s0] =	ssyncadd.s32 @!p0 s1  }
0x69: {  	[bflag:$0x3] =	sbarrier.arrive $0xFFFF  }
0x6a: {  	_ =	shalt  }

</sc_bundles>
